<compile_context>
chip_gen: v7x
topology: tpu7x:2x2x1
jax: 0.10.2.dev20260603
libtpu: 0.0.44.dev20260713+nightly
codegen_flags: <defaults>
</compile_context>

<pallas_src>
import jax
import jax.numpy as jnp
from jax import lax
from jax.experimental import pallas as pl
from jax.experimental.pallas import tpu as pltpu
from jax.experimental.pallas import tpu_sc as plsc

NUM_CODES = 8192
DIM = 32
N_TOKENS = 16384
NC, NS, L = 2, 16, 16
NW = NC * NS
BW = N_TOKENS // NW
IDX_CH = 128
N_CH = BW // IDX_CH


def _sc_body(x_hbm, w_hbm, idx_hbm, q_hbm, hist_hbm, err_hbm,
             idx_v, rows_v, x_v, ones_v, zbuf_v, acc_hist, sem):
    cid = lax.axis_index("c")
    sid = lax.axis_index("s")
    wid = cid * NS + sid
    base = wid * BW

    for k in range(N_CH):
        pltpu.sync_copy(idx_hbm.at[pl.ds(base + k * IDX_CH, IDX_CH)],
                        idx_v.at[k])

    copies = [
        pltpu.async_copy(w_hbm.at[idx_v.at[k]],
                         rows_v.at[pl.ds(k * IDX_CH, IDX_CH)], sem)
        for k in range(N_CH)
    ]
    pltpu.sync_copy(x_hbm.at[pl.ds(base, BW)], x_v)

    def fill_ones(i, _):
        ones_v[pl.ds(i * L, L)] = jnp.ones((L,), jnp.float32)
        return 0
    lax.fori_loop(0, BW // L, fill_ones, 0)

    def fill_zero(i, _):
        zbuf_v[pl.ds(i * L, L)] = jnp.zeros((L,), jnp.float32)
        return 0
    lax.fori_loop(0, zbuf_v.shape[0] // L, fill_zero, 0)

    for c in copies:
        c.wait()

    pltpu.sync_copy(rows_v, q_hbm.at[pl.ds(base, BW)])

    def err_step(i, acc):
        qa = rows_v[i, pl.ds(0, L)]
        qb = rows_v[i, pl.ds(L, L)]
        xa = x_v[i, pl.ds(0, L)]
        xb = x_v[i, pl.ds(L, L)]
        da = qa - xa
        db = qb - xb
        return acc + da * da + db * db
    err = lax.fori_loop(0, BW, err_step, jnp.zeros((L,), jnp.float32))
    err_v = ones_v
    err_v[pl.ds(0, L)] = err
    pltpu.sync_copy(err_v.at[pl.ds(0, L)], err_hbm.at[wid])
    err_v[pl.ds(0, L)] = jnp.ones((L,), jnp.float32)

    @pl.when(sid == 0)
    def _zero():
        for k in range(NUM_CODES // zbuf_v.shape[0]):
            pltpu.sync_copy(zbuf_v,
                            acc_hist.at[pl.ds(k * zbuf_v.shape[0],
                                              zbuf_v.shape[0])])
    plsc.subcore_barrier()
    for k in range(N_CH):
        pltpu.sync_copy(ones_v.at[pl.ds(k * IDX_CH, IDX_CH)],
                        acc_hist.at[idx_v.at[k]], add=True)
    plsc.subcore_barrier()

    @pl.when(sid == 0)
    def _dump():
        pltpu.sync_copy(acc_hist, hist_hbm.at[cid])


def _sc_call(flat, W, idx):
    kern = pl.kernel(
        _sc_body,
        out_type=[
            jax.ShapeDtypeStruct((N_TOKENS, DIM), jnp.float32),
            jax.ShapeDtypeStruct((NC, NUM_CODES), jnp.float32),
            jax.ShapeDtypeStruct((NW, L), jnp.float32),
        ],
        mesh=plsc.VectorSubcoreMesh(core_axis_name="c", subcore_axis_name="s"),
        scratch_types=[
            pltpu.VMEM((N_CH, IDX_CH), jnp.int32),
            pltpu.VMEM((BW, DIM), jnp.float32),
            pltpu.VMEM((BW, DIM), jnp.float32),
            pltpu.VMEM((BW,), jnp.float32),
            pltpu.VMEM((1024,), jnp.float32),
            pltpu.VMEM_SHARED((NUM_CODES,), jnp.float32),
            pltpu.SemaphoreType.DMA,
        ],
        compiler_params=pltpu.CompilerParams(use_tc_tiling_on_sc=False),
    )
    return kern(flat, W, idx)


def _epi_body(hist_ref, err_ref, loss_ref, perp_ref):
    h = hist_ref[...]
    counts = h[0:1, :] + h[1:2, :]
    p = counts * (1.0 / N_TOKENS)
    ent = jnp.sum(p * jnp.log(p + 1e-10))
    err = jnp.sum(err_ref[...])
    loss_ref[...] = jnp.full((1, 1), 1.25 * (err / (N_TOKENS * DIM)),
                             jnp.float32)
    perp_ref[...] = jnp.full((1, 1), jnp.exp(-ent), jnp.float32)


def _epi_call(hist, err):
    return pl.pallas_call(
        _epi_body,
        out_shape=[
            jax.ShapeDtypeStruct((1, 1), jnp.float32),
            jax.ShapeDtypeStruct((1, 1), jnp.float32),
        ],
    )(hist, err)


def kernel(inputs, W):
    b, t, d = inputs.shape
    flat = inputs.reshape(-1, d)
    distances = (jnp.sum(flat ** 2, axis=1, keepdims=True)
                 + jnp.sum(W ** 2, axis=1)
                 - 2.0 * jnp.matmul(flat, W.T))
    idx = jnp.argmin(distances, axis=1)
    quantized, hist, err = _sc_call(flat, W, idx.astype(jnp.int32))
    loss, perp = _epi_call(hist, err)
    return (quantized.reshape(b, t, d), loss.reshape(()), perp.reshape(()),
            idx.reshape(b, t))

# --- scband reference (transcript-rebuilt; emitter-appended) ---
"""Pipeline reference for scband-vector-quantizer-11759620456775 (READ-ONLY COPY).

The authoritative reference and input builder live on the scoring server;
editing this copy changes nothing except your own understanding.
"""

import jax, jax.numpy as jnp
import numpy as np

NUM_EMBEDDINGS = 8192
EMBEDDING_DIM = 32
COMMITMENT_COST = 0.25


def setup_inputs(seed: int = 0) -> dict:
    key = jax.random.key(seed)
    k1, k2 = jax.random.split(key)
    inputs = jax.random.normal(k1, (16, 1024, EMBEDDING_DIM), dtype=jnp.float32)
    # embedding.weight initialized uniform(-1/K, 1/K)
    W = jax.random.uniform(
        k2, (NUM_EMBEDDINGS, EMBEDDING_DIM), dtype=jnp.float32,
        minval=-1.0 / NUM_EMBEDDINGS, maxval=1.0 / NUM_EMBEDDINGS)
    return {"inputs": inputs, "W": W}


def reference(inputs, W):
    batch_size, k, embedding_dim = inputs.shape
    flat_inputs = inputs.reshape(-1, embedding_dim)
    distances = (jnp.sum(flat_inputs ** 2, axis=1, keepdims=True)
                 + jnp.sum(W ** 2, axis=1)
                 - 2.0 * jnp.matmul(flat_inputs, W.T))
    encoding_indices = jnp.argmin(distances, axis=1)
    encodings = jax.nn.one_hot(encoding_indices, NUM_EMBEDDINGS, dtype=jnp.float32)
    quantized = jnp.matmul(encodings, W)
    quantized = quantized.reshape(batch_size, k, embedding_dim)
    e_latent_loss = jnp.mean((jax.lax.stop_gradient(quantized) - inputs) ** 2)
    q_latent_loss = jnp.mean((quantized - jax.lax.stop_gradient(inputs)) ** 2)
    loss = q_latent_loss + COMMITMENT_COST * e_latent_loss
    avg_probs = jnp.mean(encodings, axis=0)
    perplexity = jnp.exp(-jnp.sum(avg_probs * jnp.log(avg_probs + 1e-10)))
    return (quantized, loss, perplexity, encoding_indices.reshape(batch_size, k))

if __name__ == "__main__":
    import jax
    _d = setup_inputs()
    print(jax.jit(kernel)(*tuple(_d.values())))

</pallas_src>

<mosaic_0001>
#map = affine_map<(d0, d1) -> (0, 0)>
#map1 = affine_map<(d0, d1) -> (0)>
module attributes {stable_mosaic.version = 14 : i64} {
  func.func @_sc_body(%arg0: i32, %arg1: i32, %arg2: memref<16384x32xf32, #tpu.memory_space<hbm>>, %arg3: memref<8192x32xf32, #tpu.memory_space<hbm>>, %arg4: memref<16384xi32, #tpu.memory_space<hbm>>, %arg5: memref<16384x32xf32, #tpu.memory_space<hbm>>, %arg6: memref<2x8192xf32, #tpu.memory_space<hbm>>, %arg7: memref<32x16xf32, #tpu.memory_space<hbm>>, %arg8: memref<4x128xi32, #tpu.memory_space<vmem>>, %arg9: memref<512x32xf32, #tpu.memory_space<vmem>>, %arg10: memref<512x32xf32, #tpu.memory_space<vmem>>, %arg11: memref<512xf32, #tpu.memory_space<vmem>>, %arg12: memref<1024xf32, #tpu.memory_space<vmem>>, %arg13: memref<8192xf32, #tpu.memory_space<vmem_shared>>, %arg14: memref<!tpu.dma_semaphore, #tpu.memory_space<semaphore_mem>>) attributes {dimension_semantics = [#tpu.dimension_semantics<core_parallel>, #tpu.dimension_semantics<subcore_parallel>], iteration_bounds = array<i64: 2, 16>, scalar_prefetch = 0 : i64, scratch_operands = 7 : i64, tpu.core_type = #tpu.core_type<sc_vector_subcore>, window_params = [{transform_indices = #map}, {transform_indices = #map}, {transform_indices = #map1}, {transform_indices = #map}, {transform_indices = #map}, {transform_indices = #map}]} {
    %mul3A = arith.constant 16 : i32
    %mul3A_0 = arith.muli %arg0, %mul3A : i32
    %add3A = arith.addi %mul3A_0, %arg1 : i32
    %mul3A_1 = arith.constant 512 : i32
    %mul3A_2 = arith.muli %add3A, %mul3A_1 : i32
    %add3A_3 = arith.constant 0 : i32
    %add3A_4 = arith.addi %mul3A_2, %add3A_3 : i32
    %run_scoped3A = arith.constant 0 : i32
    "tpu.region"() ({
      %run_scoped3A_133 = tpu.sem_alloc : memref<!tpu.dma_semaphore, #tpu.memory_space<semaphore_mem>>
      %dma_start3A_134 = arith.constant 0 : i32
      %dma_start3A_135 = tpu.memref_slice %arg8[%run_scoped3A, %dma_start3A_134] : memref<4x128xi32, #tpu.memory_space<vmem>> -> memref<1x128xi32, #tpu.memory_space<vmem>>
      %dma_start3A_136 = tpu.memref_squeeze %dma_start3A_135 : memref<1x128xi32, #tpu.memory_space<vmem>> -> memref<128xi32, #tpu.memory_space<vmem>>
      %dma_start3A_137 = tpu.memref_slice %arg4[%add3A_4] : memref<16384xi32, #tpu.memory_space<hbm>> -> memref<128xi32, #tpu.memory_space<hbm>>
      %dma_start3A_138 = arith.constant 0 : i32
      %dma_start3A_139 = tpu.memref_slice %arg8[%run_scoped3A, %dma_start3A_138] : memref<4x128xi32, #tpu.memory_space<vmem>> -> memref<1x128xi32, #tpu.memory_space<vmem>>
      %dma_start3A_140 = tpu.memref_squeeze %dma_start3A_139 : memref<1x128xi32, #tpu.memory_space<vmem>> -> memref<128xi32, #tpu.memory_space<vmem>>
      %dma_start3A_141 = tpu.memref_slice %arg4[%add3A_4] : memref<16384xi32, #tpu.memory_space<hbm>> -> memref<128xi32, #tpu.memory_space<hbm>>
      tpu.enqueue_dma source(%dma_start3A_141 : memref<128xi32, #tpu.memory_space<hbm>>) target(%dma_start3A_140 : memref<128xi32, #tpu.memory_space<vmem>>) target_semaphore(%run_scoped3A_133 : memref<!tpu.dma_semaphore, #tpu.memory_space<semaphore_mem>>)
      %dma_wait3A_142 = arith.constant 0 : i32
      %dma_wait3A_143 = tpu.memref_slice %arg8[%run_scoped3A, %dma_wait3A_142] : memref<4x128xi32, #tpu.memory_space<vmem>> -> memref<1x128xi32, #tpu.memory_space<vmem>>
      %dma_wait3A_144 = tpu.memref_squeeze %dma_wait3A_143 : memref<1x128xi32, #tpu.memory_space<vmem>> -> memref<128xi32, #tpu.memory_space<vmem>>
      %dma_wait3A_145 = tpu.memref_slice %arg4[%add3A_4] : memref<16384xi32, #tpu.memory_space<hbm>> -> memref<128xi32, #tpu.memory_space<hbm>>
      %dma_wait3A_146 = arith.constant 0 : i32
      %dma_wait3A_147 = tpu.memref_slice %arg8[%run_scoped3A, %dma_wait3A_146] : memref<4x128xi32, #tpu.memory_space<vmem>> -> memref<1x128xi32, #tpu.memory_space<vmem>>
      %dma_wait3A_148 = tpu.memref_squeeze %dma_wait3A_147 : memref<1x128xi32, #tpu.memory_space<vmem>> -> memref<128xi32, #tpu.memory_space<vmem>>
      %dma_wait3A_149 = tpu.memref_slice %arg4[%add3A_4] : memref<16384xi32, #tpu.memory_space<hbm>> -> memref<128xi32, #tpu.memory_space<hbm>>
      tpu.wait_dma2 semaphore(%run_scoped3A_133 : memref<!tpu.dma_semaphore, #tpu.memory_space<semaphore_mem>>) src(%dma_wait3A_149 : memref<128xi32, #tpu.memory_space<hbm>>) dst(%dma_wait3A_148 : memref<128xi32, #tpu.memory_space<vmem>>)
      tpu.yield
    }) : () -> ()
    %add3A_5 = arith.constant 128 : i32
    %add3A_6 = arith.addi %mul3A_2, %add3A_5 : i32
    %run_scoped3A_7 = arith.constant 1 : i32
    "tpu.region"() ({
      %run_scoped3A_133 = tpu.sem_alloc : memref<!tpu.dma_semaphore, #tpu.memory_space<semaphore_mem>>
      %dma_start3A_134 = arith.constant 0 : i32
      %dma_start3A_135 = tpu.memref_slice %arg8[%run_scoped3A_7, %dma_start3A_134] : memref<4x128xi32, #tpu.memory_space<vmem>> -> memref<1x128xi32, #tpu.memory_space<vmem>>
      %dma_start3A_136 = tpu.memref_squeeze %dma_start3A_135 : memref<1x128xi32, #tpu.memory_space<vmem>> -> memref<128xi32, #tpu.memory_space<vmem>>
      %dma_start3A_137 = tpu.memref_slice %arg4[%add3A_6] : memref<16384xi32, #tpu.memory_space<hbm>> -> memref<128xi32, #tpu.memory_space<hbm>>
      %dma_start3A_138 = arith.constant 0 : i32
      %dma_start3A_139 = tpu.memref_slice %arg8[%run_scoped3A_7, %dma_start3A_138] : memref<4x128xi32, #tpu.memory_space<vmem>> -> memref<1x128xi32, #tpu.memory_space<vmem>>
      %dma_start3A_140 = tpu.memref_squeeze %dma_start3A_139 : memref<1x128xi32, #tpu.memory_space<vmem>> -> memref<128xi32, #tpu.memory_space<vmem>>
      %dma_start3A_141 = tpu.memref_slice %arg4[%add3A_6] : memref<16384xi32, #tpu.memory_space<hbm>> -> memref<128xi32, #tpu.memory_space<hbm>>
      tpu.enqueue_dma source(%dma_start3A_141 : memref<128xi32, #tpu.memory_space<hbm>>) target(%dma_start3A_140 : memref<128xi32, #tpu.memory_space<vmem>>) target_semaphore(%run_scoped3A_133 : memref<!tpu.dma_semaphore, #tpu.memory_space<semaphore_mem>>)
      %dma_wait3A_142 = arith.constant 0 : i32
      %dma_wait3A_143 = tpu.memref_slice %arg8[%run_scoped3A_7, %dma_wait3A_142] : memref<4x128xi32, #tpu.memory_space<vmem>> -> memref<1x128xi32, #tpu.memory_space<vmem>>
      %dma_wait3A_144 = tpu.memref_squeeze %dma_wait3A_143 : memref<1x128xi32, #tpu.memory_space<vmem>> -> memref<128xi32, #tpu.memory_space<vmem>>
      %dma_wait3A_145 = tpu.memref_slice %arg4[%add3A_6] : memref<16384xi32, #tpu.memory_space<hbm>> -> memref<128xi32, #tpu.memory_space<hbm>>
      %dma_wait3A_146 = arith.constant 0 : i32
      %dma_wait3A_147 = tpu.memref_slice %arg8[%run_scoped3A_7, %dma_wait3A_146] : memref<4x128xi32, #tpu.memory_space<vmem>> -> memref<1x128xi32, #tpu.memory_space<vmem>>
      %dma_wait3A_148 = tpu.memref_squeeze %dma_wait3A_147 : memref<1x128xi32, #tpu.memory_space<vmem>> -> memref<128xi32, #tpu.memory_space<vmem>>
      %dma_wait3A_149 = tpu.memref_slice %arg4[%add3A_6] : memref<16384xi32, #tpu.memory_space<hbm>> -> memref<128xi32, #tpu.memory_space<hbm>>
      tpu.wait_dma2 semaphore(%run_scoped3A_133 : memref<!tpu.dma_semaphore, #tpu.memory_space<semaphore_mem>>) src(%dma_wait3A_149 : memref<128xi32, #tpu.memory_space<hbm>>) dst(%dma_wait3A_148 : memref<128xi32, #tpu.memory_space<vmem>>)
      tpu.yield
    }) : () -> ()
    %add3A_8 = arith.constant 256 : i32
    %add3A_9 = arith.addi %mul3A_2, %add3A_8 : i32
    %run_scoped3A_10 = arith.constant 2 : i32
    "tpu.region"() ({
      %run_scoped3A_133 = tpu.sem_alloc : memref<!tpu.dma_semaphore, #tpu.memory_space<semaphore_mem>>
      %dma_start3A_134 = arith.constant 0 : i32
      %dma_start3A_135 = tpu.memref_slice %arg8[%run_scoped3A_10, %dma_start3A_134] : memref<4x128xi32, #tpu.memory_space<vmem>> -> memref<1x128xi32, #tpu.memory_space<vmem>>
      %dma_start3A_136 = tpu.memref_squeeze %dma_start3A_135 : memref<1x128xi32, #tpu.memory_space<vmem>> -> memref<128xi32, #tpu.memory_space<vmem>>
      %dma_start3A_137 = tpu.memref_slice %arg4[%add3A_9] : memref<16384xi32, #tpu.memory_space<hbm>> -> memref<128xi32, #tpu.memory_space<hbm>>
      %dma_start3A_138 = arith.constant 0 : i32
      %dma_start3A_139 = tpu.memref_slice %arg8[%run_scoped3A_10, %dma_start3A_138] : memref<4x128xi32, #tpu.memory_space<vmem>> -> memref<1x128xi32, #tpu.memory_space<vmem>>
      %dma_start3A_140 = tpu.memref_squeeze %dma_start3A_139 : memref<1x128xi32, #tpu.memory_space<vmem>> -> memref<128xi32, #tpu.memory_space<vmem>>
      %dma_start3A_141 = tpu.memref_slice %arg4[%add3A_9] : memref<16384xi32, #tpu.memory_space<hbm>> -> memref<128xi32, #tpu.memory_space<hbm>>
      tpu.enqueue_dma source(%dma_start3A_141 : memref<128xi32, #tpu.memory_space<hbm>>) target(%dma_start3A_140 : memref<128xi32, #tpu.memory_space<vmem>>) target_semaphore(%run_scoped3A_133 : memref<!tpu.dma_semaphore, #tpu.memory_space<semaphore_mem>>)
      %dma_wait3A_142 = arith.constant 0 : i32
      %dma_wait3A_143 = tpu.memref_slice %arg8[%run_scoped3A_10, %dma_wait3A_142] : memref<4x128xi32, #tpu.memory_space<vmem>> -> memref<1x128xi32, #tpu.memory_space<vmem>>
      %dma_wait3A_144 = tpu.memref_squeeze %dma_wait3A_143 : memref<1x128xi32, #tpu.memory_space<vmem>> -> memref<128xi32, #tpu.memory_space<vmem>>
      %dma_wait3A_145 = tpu.memref_slice %arg4[%add3A_9] : memref<16384xi32, #tpu.memory_space<hbm>> -> memref<128xi32, #tpu.memory_space<hbm>>
      %dma_wait3A_146 = arith.constant 0 : i32
      %dma_wait3A_147 = tpu.memref_slice %arg8[%run_scoped3A_10, %dma_wait3A_146] : memref<4x128xi32, #tpu.memory_space<vmem>> -> memref<1x128xi32, #tpu.memory_space<vmem>>
      %dma_wait3A_148 = tpu.memref_squeeze %dma_wait3A_147 : memref<1x128xi32, #tpu.memory_space<vmem>> -> memref<128xi32, #tpu.memory_space<vmem>>
      %dma_wait3A_149 = tpu.memref_slice %arg4[%add3A_9] : memref<16384xi32, #tpu.memory_space<hbm>> -> memref<128xi32, #tpu.memory_space<hbm>>
      tpu.wait_dma2 semaphore(%run_scoped3A_133 : memref<!tpu.dma_semaphore, #tpu.memory_space<semaphore_mem>>) src(%dma_wait3A_149 : memref<128xi32, #tpu.memory_space<hbm>>) dst(%dma_wait3A_148 : memref<128xi32, #tpu.memory_space<vmem>>)
      tpu.yield
    }) : () -> ()
    %add3A_11 = arith.constant 384 : i32
    %add3A_12 = arith.addi %mul3A_2, %add3A_11 : i32
    %run_scoped3A_13 = arith.constant 3 : i32
    "tpu.region"() ({
      %run_scoped3A_133 = tpu.sem_alloc : memref<!tpu.dma_semaphore, #tpu.memory_space<semaphore_mem>>
      %dma_start3A_134 = arith.constant 0 : i32
      %dma_start3A_135 = tpu.memref_slice %arg8[%run_scoped3A_13, %dma_start3A_134] : memref<4x128xi32, #tpu.memory_space<vmem>> -> memref<1x128xi32, #tpu.memory_space<vmem>>
      %dma_start3A_136 = tpu.memref_squeeze %dma_start3A_135 : memref<1x128xi32, #tpu.memory_space<vmem>> -> memref<128xi32, #tpu.memory_space<vmem>>
      %dma_start3A_137 = tpu.memref_slice %arg4[%add3A_12] : memref<16384xi32, #tpu.memory_space<hbm>> -> memref<128xi32, #tpu.memory_space<hbm>>
      %dma_start3A_138 = arith.constant 0 : i32
      %dma_start3A_139 = tpu.memref_slice %arg8[%run_scoped3A_13, %dma_start3A_138] : memref<4x128xi32, #tpu.memory_space<vmem>> -> memref<1x128xi32, #tpu.memory_space<vmem>>
      %dma_start3A_140 = tpu.memref_squeeze %dma_start3A_139 : memref<1x128xi32, #tpu.memory_space<vmem>> -> memref<128xi32, #tpu.memory_space<vmem>>
      %dma_start3A_141 = tpu.memref_slice %arg4[%add3A_12] : memref<16384xi32, #tpu.memory_space<hbm>> -> memref<128xi32, #tpu.memory_space<hbm>>
      tpu.enqueue_dma source(%dma_start3A_141 : memref<128xi32, #tpu.memory_space<hbm>>) target(%dma_start3A_140 : memref<128xi32, #tpu.memory_space<vmem>>) target_semaphore(%run_scoped3A_133 : memref<!tpu.dma_semaphore, #tpu.memory_space<semaphore_mem>>)
      %dma_wait3A_142 = arith.constant 0 : i32
      %dma_wait3A_143 = tpu.memref_slice %arg8[%run_scoped3A_13, %dma_wait3A_142] : memref<4x128xi32, #tpu.memory_space<vmem>> -> memref<1x128xi32, #tpu.memory_space<vmem>>
      %dma_wait3A_144 = tpu.memref_squeeze %dma_wait3A_143 : memref<1x128xi32, #tpu.memory_space<vmem>> -> memref<128xi32, #tpu.memory_space<vmem>>
      %dma_wait3A_145 = tpu.memref_slice %arg4[%add3A_12] : memref<16384xi32, #tpu.memory_space<hbm>> -> memref<128xi32, #tpu.memory_space<hbm>>
      %dma_wait3A_146 = arith.constant 0 : i32
      %dma_wait3A_147 = tpu.memref_slice %arg8[%run_scoped3A_13, %dma_wait3A_146] : memref<4x128xi32, #tpu.memory_space<vmem>> -> memref<1x128xi32, #tpu.memory_space<vmem>>
      %dma_wait3A_148 = tpu.memref_squeeze %dma_wait3A_147 : memref<1x128xi32, #tpu.memory_space<vmem>> -> memref<128xi32, #tpu.memory_space<vmem>>
      %dma_wait3A_149 = tpu.memref_slice %arg4[%add3A_12] : memref<16384xi32, #tpu.memory_space<hbm>> -> memref<128xi32, #tpu.memory_space<hbm>>
      tpu.wait_dma2 semaphore(%run_scoped3A_133 : memref<!tpu.dma_semaphore, #tpu.memory_space<semaphore_mem>>) src(%dma_wait3A_149 : memref<128xi32, #tpu.memory_space<hbm>>) dst(%dma_wait3A_148 : memref<128xi32, #tpu.memory_space<vmem>>)
      tpu.yield
    }) : () -> ()
    %dma_start3A = arith.constant 0 : i32
    %dma_start3A_14 = arith.constant 0 : i32
    %dma_start3A_15 = arith.constant 0 : i32
    %dma_start3A_16 = tpu.memref_slice %arg9[%dma_start3A_14, %dma_start3A_15] : memref<512x32xf32, #tpu.memory_space<vmem>> -> memref<128x32xf32, #tpu.memory_space<vmem>>
    %dma_start3A_17 = arith.constant 0 : i32
    %dma_start3A_18 = tpu.memref_slice %arg8[%dma_start3A, %dma_start3A_17] : memref<4x128xi32, #tpu.memory_space<vmem>> -> memref<1x128xi32, #tpu.memory_space<vmem>>
    %dma_start3A_19 = tpu.memref_squeeze %dma_start3A_18 : memref<1x128xi32, #tpu.memory_space<vmem>> -> memref<128xi32, #tpu.memory_space<vmem>>
    %dma_start3A_20 = arith.constant 0 : i32
    %dma_start3A_21 = arith.constant 0 : i32
    %dma_start3A_22 = tpu.memref_slice %arg3[%dma_start3A_20, %dma_start3A_21] : memref<8192x32xf32, #tpu.memory_space<hbm>> -> memref<8192x32xf32, #tpu.memory_space<hbm>>
    tpu.enqueue_indirect_dma source(%dma_start3A_22 : memref<8192x32xf32, #tpu.memory_space<hbm>>) target(%dma_start3A_16 : memref<128x32xf32, #tpu.memory_space<vmem>>) offsets(%dma_start3A_19 : memref<128xi32, #tpu.memory_space<vmem>>) semaphore(%arg14 : memref<!tpu.dma_semaphore, #tpu.memory_space<semaphore_mem>>)
    %dma_start3A_23 = arith.constant 1 : i32
    %dma_start3A_24 = arith.constant 128 : i32
    %dma_start3A_25 = arith.constant 0 : i32
    %dma_start3A_26 = tpu.memref_slice %arg9[%dma_start3A_24, %dma_start3A_25] : memref<512x32xf32, #tpu.memory_space<vmem>> -> memref<128x32xf32, #tpu.memory_space<vmem>>
    %dma_start3A_27 = arith.constant 0 : i32
    %dma_start3A_28 = tpu.memref_slice %arg8[%dma_start3A_23, %dma_start3A_27] : memref<4x128xi32, #tpu.memory_space<vmem>> -> memref<1x128xi32, #tpu.memory_space<vmem>>
    %dma_start3A_29 = tpu.memref_squeeze %dma_start3A_28 : memref<1x128xi32, #tpu.memory_space<vmem>> -> memref<128xi32, #tpu.memory_space<vmem>>
    %dma_start3A_30 = arith.constant 0 : i32
    %dma_start3A_31 = arith.constant 0 : i32
    %dma_start3A_32 = tpu.memref_slice %arg3[%dma_start3A_30, %dma_start3A_31] : memref<8192x32xf32, #tpu.memory_space<hbm>> -> memref<8192x32xf32, #tpu.memory_space<hbm>>
    tpu.enqueue_indirect_dma source(%dma_start3A_32 : memref<8192x32xf32, #tpu.memory_space<hbm>>) target(%dma_start3A_26 : memref<128x32xf32, #tpu.memory_space<vmem>>) offsets(%dma_start3A_29 : memref<128xi32, #tpu.memory_space<vmem>>) semaphore(%arg14 : memref<!tpu.dma_semaphore, #tpu.memory_space<semaphore_mem>>)
    %dma_start3A_33 = arith.constant 2 : i32
    %dma_start3A_34 = arith.constant 256 : i32
    %dma_start3A_35 = arith.constant 0 : i32
    %dma_start3A_36 = tpu.memref_slice %arg9[%dma_start3A_34, %dma_start3A_35] : memref<512x32xf32, #tpu.memory_space<vmem>> -> memref<128x32xf32, #tpu.memory_space<vmem>>
    %dma_start3A_37 = arith.constant 0 : i32
    %dma_start3A_38 = tpu.memref_slice %arg8[%dma_start3A_33, %dma_start3A_37] : memref<4x128xi32, #tpu.memory_space<vmem>> -> memref<1x128xi32, #tpu.memory_space<vmem>>
    %dma_start3A_39 = tpu.memref_squeeze %dma_start3A_38 : memref<1x128xi32, #tpu.memory_space<vmem>> -> memref<128xi32, #tpu.memory_space<vmem>>
    %dma_start3A_40 = arith.constant 0 : i32
    %dma_start3A_41 = arith.constant 0 : i32
    %dma_start3A_42 = tpu.memref_slice %arg3[%dma_start3A_40, %dma_start3A_41] : memref<8192x32xf32, #tpu.memory_space<hbm>> -> memref<8192x32xf32, #tpu.memory_space<hbm>>
    tpu.enqueue_indirect_dma source(%dma_start3A_42 : memref<8192x32xf32, #tpu.memory_space<hbm>>) target(%dma_start3A_36 : memref<128x32xf32, #tpu.memory_space<vmem>>) offsets(%dma_start3A_39 : memref<128xi32, #tpu.memory_space<vmem>>) semaphore(%arg14 : memref<!tpu.dma_semaphore, #tpu.memory_space<semaphore_mem>>)
    %dma_start3A_43 = arith.constant 3 : i32
    %dma_start3A_44 = arith.constant 384 : i32
    %dma_start3A_45 = arith.constant 0 : i32
    %dma_start3A_46 = tpu.memref_slice %arg9[%dma_start3A_44, %dma_start3A_45] : memref<512x32xf32, #tpu.memory_space<vmem>> -> memref<128x32xf32, #tpu.memory_space<vmem>>
    %dma_start3A_47 = arith.constant 0 : i32
    %dma_start3A_48 = tpu.memref_slice %arg8[%dma_start3A_43, %dma_start3A_47] : memref<4x128xi32, #tpu.memory_space<vmem>> -> memref<1x128xi32, #tpu.memory_space<vmem>>
    %dma_start3A_49 = tpu.memref_squeeze %dma_start3A_48 : memref<1x128xi32, #tpu.memory_space<vmem>> -> memref<128xi32, #tpu.memory_space<vmem>>
    %dma_start3A_50 = arith.constant 0 : i32
    %dma_start3A_51 = arith.constant 0 : i32
    %dma_start3A_52 = tpu.memref_slice %arg3[%dma_start3A_50, %dma_start3A_51] : memref<8192x32xf32, #tpu.memory_space<hbm>> -> memref<8192x32xf32, #tpu.memory_space<hbm>>
    tpu.enqueue_indirect_dma source(%dma_start3A_52 : memref<8192x32xf32, #tpu.memory_space<hbm>>) target(%dma_start3A_46 : memref<128x32xf32, #tpu.memory_space<vmem>>) offsets(%dma_start3A_49 : memref<128xi32, #tpu.memory_space<vmem>>) semaphore(%arg14 : memref<!tpu.dma_semaphore, #tpu.memory_space<semaphore_mem>>)
    "tpu.region"() ({
      %run_scoped3A_133 = tpu.sem_alloc : memref<!tpu.dma_semaphore, #tpu.memory_space<semaphore_mem>>
      %dma_start3A_134 = arith.constant 0 : i32
      %dma_start3A_135 = tpu.memref_slice %arg2[%mul3A_2, %dma_start3A_134] : memref<16384x32xf32, #tpu.memory_space<hbm>> -> memref<512x32xf32, #tpu.memory_space<hbm>>
      %dma_start3A_136 = arith.constant 0 : i32
      %dma_start3A_137 = tpu.memref_slice %arg2[%mul3A_2, %dma_start3A_136] : memref<16384x32xf32, #tpu.memory_space<hbm>> -> memref<512x32xf32, #tpu.memory_space<hbm>>
      tpu.enqueue_dma source(%dma_start3A_137 : memref<512x32xf32, #tpu.memory_space<hbm>>) target(%arg10 : memref<512x32xf32, #tpu.memory_space<vmem>>) target_semaphore(%run_scoped3A_133 : memref<!tpu.dma_semaphore, #tpu.memory_space<semaphore_mem>>)
      %dma_wait3A_138 = arith.constant 0 : i32
      %dma_wait3A_139 = tpu.memref_slice %arg2[%mul3A_2, %dma_wait3A_138] : memref<16384x32xf32, #tpu.memory_space<hbm>> -> memref<512x32xf32, #tpu.memory_space<hbm>>
      %dma_wait3A_140 = arith.constant 0 : i32
      %dma_wait3A_141 = tpu.memref_slice %arg2[%mul3A_2, %dma_wait3A_140] : memref<16384x32xf32, #tpu.memory_space<hbm>> -> memref<512x32xf32, #tpu.memory_space<hbm>>
      tpu.wait_dma2 semaphore(%run_scoped3A_133 : memref<!tpu.dma_semaphore, #tpu.memory_space<semaphore_mem>>) src(%dma_wait3A_141 : memref<512x32xf32, #tpu.memory_space<hbm>>) dst(%arg10 : memref<512x32xf32, #tpu.memory_space<vmem>>)
      tpu.yield
    }) : () -> ()
    %scan3A = arith.constant 0 : i32
    %scan3A_53 = arith.constant 0 : i32
    %scan3A_54 = arith.constant 32 : i32
    %scan3A_55 = arith.addi %scan3A_53, %scan3A_54 : i32
    %scan3A_56 = arith.constant 1 : i32
    %scan3A_57 = scf.for %scan3A_133 = %scan3A_53 to %scan3A_55 step %scan3A_56 iter_args(%scan3A_134 = %scan3A) -> (i32)  : i32 {
      %broadcast_in_dim3A_135 = arith.constant 1.000000e+00 : f32
      %broadcast_in_dim3A_136 = vector.broadcast %broadcast_in_dim3A_135 : f32 to vector<16xf32>
      %mul3A_137 = arith.constant 16 : i32
      %mul3A_138 = arith.muli %scan3A_133, %mul3A_137 : i32
      %swap3A_139 = arith.index_cast %mul3A_138 : i32 to index
      %swap3A_140 = tpu.vector_load %arg11[%swap3A_139] {strides = array<i32>} : memref<512xf32, #tpu.memory_space<vmem>>, vector<16xf32>,
      %swap3A_141 = vector.shape_cast %swap3A_140 : vector<16xf32> to vector<16xf32>
      %swap3A_142 = vector.shape_cast %broadcast_in_dim3A_136 : vector<16xf32> to vector<16xf32>
      tpu.vector_store %arg11[%swap3A_139], %swap3A_142 {strides = array<i32>} : memref<512xf32, #tpu.memory_space<vmem>>, vector<16xf32>,
      %scan3A_143 = arith.constant 0 : i32
      scf.yield %scan3A_143 : i32
    }
    %scan3A_58 = arith.constant 32 : i32
    %scan3A_59 = arith.constant 0 : i32
    %scan3A_60 = arith.constant 0 : i32
    %scan3A_61 = arith.constant 64 : i32
    %scan3A_62 = arith.addi %scan3A_60, %scan3A_61 : i32
    %scan3A_63 = arith.constant 1 : i32
    %scan3A_64 = scf.for %scan3A_133 = %scan3A_60 to %scan3A_62 step %scan3A_63 iter_args(%scan3A_134 = %scan3A_59) -> (i32)  : i32 {
      %broadcast_in_dim3A_135 = arith.constant 0.000000e+00 : f32
      %broadcast_in_dim3A_136 = vector.broadcast %broadcast_in_dim3A_135 : f32 to vector<16xf32>
      %mul3A_137 = arith.constant 16 : i32
      %mul3A_138 = arith.muli %scan3A_133, %mul3A_137 : i32
      %swap3A_139 = arith.index_cast %mul3A_138 : i32 to index
      %swap3A_140 = tpu.vector_load %arg12[%swap3A_139] {strides = array<i32>} : memref<1024xf32, #tpu.memory_space<vmem>>, vector<16xf32>,
      %swap3A_141 = vector.shape_cast %swap3A_140 : vector<16xf32> to vector<16xf32>
      %swap3A_142 = vector.shape_cast %broadcast_in_dim3A_136 : vector<16xf32> to vector<16xf32>
      tpu.vector_store %arg12[%swap3A_139], %swap3A_142 {strides = array<i32>} : memref<1024xf32, #tpu.memory_space<vmem>>, vector<16xf32>,
      %scan3A_143 = arith.constant 0 : i32
      scf.yield %scan3A_143 : i32
    }
    %scan3A_65 = arith.constant 64 : i32
    %dma_wait3A = arith.constant 0 : i32
    %dma_wait3A_66 = arith.constant 0 : i32
    %dma_wait3A_67 = arith.constant 0 : i32
    %dma_wait3A_68 = tpu.memref_slice %arg9[%dma_wait3A_66, %dma_wait3A_67] : memref<512x32xf32, #tpu.memory_space<vmem>> -> memref<128x32xf32, #tpu.memory_space<vmem>>
    %dma_wait3A_69 = arith.constant 0 : i32
    %dma_wait3A_70 = tpu.memref_slice %arg8[%dma_wait3A, %dma_wait3A_69] : memref<4x128xi32, #tpu.memory_space<vmem>> -> memref<1x128xi32, #tpu.memory_space<vmem>>
    %dma_wait3A_71 = tpu.memref_squeeze %dma_wait3A_70 : memref<1x128xi32, #tpu.memory_space<vmem>> -> memref<128xi32, #tpu.memory_space<vmem>>
    %dma_wait3A_72 = arith.constant 0 : i32
    %dma_wait3A_73 = arith.constant 0 : i32
    %dma_wait3A_74 = tpu.memref_slice %arg3[%dma_wait3A_72, %dma_wait3A_73] : memref<8192x32xf32, #tpu.memory_space<hbm>> -> memref<8192x32xf32, #tpu.memory_space<hbm>>
    tpu.wait_indirect_dma semaphore(%arg14 : memref<!tpu.dma_semaphore, #tpu.memory_space<semaphore_mem>>) src(%dma_wait3A_74 : memref<8192x32xf32, #tpu.memory_space<hbm>>) dst(%dma_wait3A_68 : memref<128x32xf32, #tpu.memory_space<vmem>>)
    %dma_wait3A_75 = arith.constant 1 : i32
    %dma_wait3A_76 = arith.constant 128 : i32
    %dma_wait3A_77 = arith.constant 0 : i32
    %dma_wait3A_78 = tpu.memref_slice %arg9[%dma_wait3A_76, %dma_wait3A_77] : memref<512x32xf32, #tpu.memory_space<vmem>> -> memref<128x32xf32, #tpu.memory_space<vmem>>
    %dma_wait3A_79 = arith.constant 0 : i32
    %dma_wait3A_80 = tpu.memref_slice %arg8[%dma_wait3A_75, %dma_wait3A_79] : memref<4x128xi32, #tpu.memory_space<vmem>> -> memref<1x128xi32, #tpu.memory_space<vmem>>
    %dma_wait3A_81 = tpu.memref_squeeze %dma_wait3A_80 : memref<1x128xi32, #tpu.memory_space<vmem>> -> memref<128xi32, #tpu.memory_space<vmem>>
    %dma_wait3A_82 = arith.constant 0 : i32
    %dma_wait3A_83 = arith.constant 0 : i32
    %dma_wait3A_84 = tpu.memref_slice %arg3[%dma_wait3A_82, %dma_wait3A_83] : memref<8192x32xf32, #tpu.memory_space<hbm>> -> memref<8192x32xf32, #tpu.memory_space<hbm>>
    tpu.wait_indirect_dma semaphore(%arg14 : memref<!tpu.dma_semaphore, #tpu.memory_space<semaphore_mem>>) src(%dma_wait3A_84 : memref<8192x32xf32, #tpu.memory_space<hbm>>) dst(%dma_wait3A_78 : memref<128x32xf32, #tpu.memory_space<vmem>>)
    %dma_wait3A_85 = arith.constant 2 : i32
    %dma_wait3A_86 = arith.constant 256 : i32
    %dma_wait3A_87 = arith.constant 0 : i32
    %dma_wait3A_88 = tpu.memref_slice %arg9[%dma_wait3A_86, %dma_wait3A_87] : memref<512x32xf32, #tpu.memory_space<vmem>> -> memref<128x32xf32, #tpu.memory_space<vmem>>
    %dma_wait3A_89 = arith.constant 0 : i32
    %dma_wait3A_90 = tpu.memref_slice %arg8[%dma_wait3A_85, %dma_wait3A_89] : memref<4x128xi32, #tpu.memory_space<vmem>> -> memref<1x128xi32, #tpu.memory_space<vmem>>
    %dma_wait3A_91 = tpu.memref_squeeze %dma_wait3A_90 : memref<1x128xi32, #tpu.memory_space<vmem>> -> memref<128xi32, #tpu.memory_space<vmem>>
    %dma_wait3A_92 = arith.constant 0 : i32
    %dma_wait3A_93 = arith.constant 0 : i32
    %dma_wait3A_94 = tpu.memref_slice %arg3[%dma_wait3A_92, %dma_wait3A_93] : memref<8192x32xf32, #tpu.memory_space<hbm>> -> memref<8192x32xf32, #tpu.memory_space<hbm>>
    tpu.wait_indirect_dma semaphore(%arg14 : memref<!tpu.dma_semaphore, #tpu.memory_space<semaphore_mem>>) src(%dma_wait3A_94 : memref<8192x32xf32, #tpu.memory_space<hbm>>) dst(%dma_wait3A_88 : memref<128x32xf32, #tpu.memory_space<vmem>>)
    %dma_wait3A_95 = arith.constant 3 : i32
    %dma_wait3A_96 = arith.constant 384 : i32
    %dma_wait3A_97 = arith.constant 0 : i32
    %dma_wait3A_98 = tpu.memref_slice %arg9[%dma_wait3A_96, %dma_wait3A_97] : memref<512x32xf32, #tpu.memory_space<vmem>> -> memref<128x32xf32, #tpu.memory_space<vmem>>
    %dma_wait3A_99 = arith.constant 0 : i32
    %dma_wait3A_100 = tpu.memref_slice %arg8[%dma_wait3A_95, %dma_wait3A_99] : memref<4x128xi32, #tpu.memory_space<vmem>> -> memref<1x128xi32, #tpu.memory_space<vmem>>
    %dma_wait3A_101 = tpu.memref_squeeze %dma_wait3A_100 : memref<1x128xi32, #tpu.memory_space<vmem>> -> memref<128xi32, #tpu.memory_space<vmem>>
    %dma_wait3A_102 = arith.constant 0 : i32
    %dma_wait3A_103 = arith.constant 0 : i32
    %dma_wait3A_104 = tpu.memref_slice %arg3[%dma_wait3A_102, %dma_wait3A_103] : memref<8192x32xf32, #tpu.memory_space<hbm>> -> memref<8192x32xf32, #tpu.memory_space<hbm>>
    tpu.wait_indirect_dma semaphore(%arg14 : memref<!tpu.dma_semaphore, #tpu.memory_space<semaphore_mem>>) src(%dma_wait3A_104 : memref<8192x32xf32, #tpu.memory_space<hbm>>) dst(%dma_wait3A_98 : memref<128x32xf32, #tpu.memory_space<vmem>>)
    "tpu.region"() ({
      %run_scoped3A_133 = tpu.sem_alloc : memref<!tpu.dma_semaphore, #tpu.memory_space<semaphore_mem>>
      %dma_start3A_134 = arith.constant 0 : i32
      %dma_start3A_135 = tpu.memref_slice %arg5[%mul3A_2, %dma_start3A_134] : memref<16384x32xf32, #tpu.memory_space<hbm>> -> memref<512x32xf32, #tpu.memory_space<hbm>>
      %dma_start3A_136 = arith.constant 0 : i32
      %dma_start3A_137 = tpu.memref_slice %arg5[%mul3A_2, %dma_start3A_136] : memref<16384x32xf32, #tpu.memory_space<hbm>> -> memref<512x32xf32, #tpu.memory_space<hbm>>
      tpu.enqueue_dma source(%arg9 : memref<512x32xf32, #tpu.memory_space<vmem>>) target(%dma_start3A_137 : memref<512x32xf32, #tpu.memory_space<hbm>>) target_semaphore(%run_scoped3A_133 : memref<!tpu.dma_semaphore, #tpu.memory_space<semaphore_mem>>)
      %dma_wait3A_138 = arith.constant 0 : i32
      %dma_wait3A_139 = tpu.memref_slice %arg5[%mul3A_2, %dma_wait3A_138] : memref<16384x32xf32, #tpu.memory_space<hbm>> -> memref<512x32xf32, #tpu.memory_space<hbm>>
      %dma_wait3A_140 = arith.constant 0 : i32
      %dma_wait3A_141 = tpu.memref_slice %arg5[%mul3A_2, %dma_wait3A_140] : memref<16384x32xf32, #tpu.memory_space<hbm>> -> memref<512x32xf32, #tpu.memory_space<hbm>>
      tpu.wait_dma2 semaphore(%run_scoped3A_133 : memref<!tpu.dma_semaphore, #tpu.memory_space<semaphore_mem>>) src(%arg9 : memref<512x32xf32, #tpu.memory_space<vmem>>) dst(%dma_wait3A_141 : memref<512x32xf32, #tpu.memory_space<hbm>>)
      tpu.yield
    }) : () -> ()
    %broadcast_in_dim3A = arith.constant 0.000000e+00 : f32
    %broadcast_in_dim3A_105 = vector.broadcast %broadcast_in_dim3A : f32 to vector<16xf32>
    %scan3A_106 = arith.constant 0 : i32
    %scan3A_107 = arith.constant 512 : i32
    %scan3A_108 = arith.addi %scan3A_106, %scan3A_107 : i32
    %scan3A_109 = arith.constant 1 : i32
    %scan3A_110 = scf.for %scan3A_133 = %scan3A_106 to %scan3A_108 step %scan3A_109 iter_args(%scan3A_134 = %broadcast_in_dim3A_105) -> (vector<16xf32>)  : i32 {
      %get3A = arith.index_cast %scan3A_133 : i32 to index
      %get3A_135 = arith.constant 0 : index
      %get3A_136 = tpu.vector_load %arg9[%get3A, %get3A_135] {strides = array<i32>} : memref<512x32xf32, #tpu.memory_space<vmem>>, vector<1x16xf32>,
      %get3A_137 = vector.shape_cast %get3A_136 : vector<1x16xf32> to vector<16xf32>
      %get3A_138 = arith.index_cast %scan3A_133 : i32 to index
      %get3A_139 = arith.constant 16 : index
      %get3A_140 = tpu.vector_load %arg9[%get3A_138, %get3A_139] {strides = array<i32>} : memref<512x32xf32, #tpu.memory_space<vmem>>, vector<1x16xf32>,
      %get3A_141 = vector.shape_cast %get3A_140 : vector<1x16xf32> to vector<16xf32>
      %get3A_142 = arith.index_cast %scan3A_133 : i32 to index
      %get3A_143 = arith.constant 0 : index
      %get3A_144 = tpu.vector_load %arg10[%get3A_142, %get3A_143] {strides = array<i32>} : memref<512x32xf32, #tpu.memory_space<vmem>>, vector<1x16xf32>,
      %get3A_145 = vector.shape_cast %get3A_144 : vector<1x16xf32> to vector<16xf32>
      %get3A_146 = arith.index_cast %scan3A_133 : i32 to index
      %get3A_147 = arith.constant 16 : index
      %get3A_148 = tpu.vector_load %arg10[%get3A_146, %get3A_147] {strides = array<i32>} : memref<512x32xf32, #tpu.memory_space<vmem>>, vector<1x16xf32>,
      %get3A_149 = vector.shape_cast %get3A_148 : vector<1x16xf32> to vector<16xf32>
      %sub3A = arith.subf %get3A_137, %get3A_145 : vector<16xf32>
      %sub3A_150 = arith.subf %get3A_141, %get3A_149 : vector<16xf32>
      %mul3A_151 = arith.mulf %sub3A, %sub3A : vector<16xf32>
      %add3A_152 = arith.addf %scan3A_134, %mul3A_151 : vector<16xf32>
      %mul3A_153 = arith.mulf %sub3A_150, %sub3A_150 : vector<16xf32>
      %add3A_154 = arith.addf %add3A_152, %mul3A_153 : vector<16xf32>
      scf.yield %add3A_154 : vector<16xf32>
    }
    %scan3A_111 = arith.constant 512 : i32
    %swap3A = arith.constant 0 : index
    %swap3A_112 = tpu.vector_load %arg11[%swap3A] {strides = array<i32>} : memref<512xf32, #tpu.memory_space<vmem>>, vector<16xf32>,
    %swap3A_113 = vector.shape_cast %swap3A_112 : vector<16xf32> to vector<16xf32>
    %swap3A_114 = vector.shape_cast %scan3A_110 : vector<16xf32> to vector<16xf32>
    tpu.vector_store %arg11[%swap3A], %swap3A_114 {strides = array<i32>} : memref<512xf32, #tpu.memory_space<vmem>>, vector<16xf32>,
    "tpu.region"() ({
      %run_scoped3A_133 = tpu.sem_alloc : memref<!tpu.dma_semaphore, #tpu.memory_space<semaphore_mem>>
      %dma_start3A_134 = arith.constant 0 : i32
      %dma_start3A_135 = tpu.memref_slice %arg11[%dma_start3A_134] : memref<512xf32, #tpu.memory_space<vmem>> -> memref<16xf32, #tpu.memory_space<vmem>>
      %dma_start3A_136 = arith.constant 0 : i32
      %dma_start3A_137 = tpu.memref_slice %arg7[%add3A, %dma_start3A_136] : memref<32x16xf32, #tpu.memory_space<hbm>> -> memref<1x16xf32, #tpu.memory_space<hbm>>
      %dma_start3A_138 = tpu.memref_squeeze %dma_start3A_137 : memref<1x16xf32, #tpu.memory_space<hbm>> -> memref<16xf32, #tpu.memory_space<hbm>>
      %dma_start3A_139 = arith.constant 0 : i32
      %dma_start3A_140 = tpu.memref_slice %arg7[%add3A, %dma_start3A_139] : memref<32x16xf32, #tpu.memory_space<hbm>> -> memref<1x16xf32, #tpu.memory_space<hbm>>
      %dma_start3A_141 = tpu.memref_squeeze %dma_start3A_140 : memref<1x16xf32, #tpu.memory_space<hbm>> -> memref<16xf32, #tpu.memory_space<hbm>>
      %dma_start3A_142 = arith.constant 0 : i32
      %dma_start3A_143 = tpu.memref_slice %arg11[%dma_start3A_142] : memref<512xf32, #tpu.memory_space<vmem>> -> memref<16xf32, #tpu.memory_space<vmem>>
      tpu.enqueue_dma source(%dma_start3A_143 : memref<16xf32, #tpu.memory_space<vmem>>) target(%dma_start3A_141 : memref<16xf32, #tpu.memory_space<hbm>>) target_semaphore(%run_scoped3A_133 : memref<!tpu.dma_semaphore, #tpu.memory_space<semaphore_mem>>)
      %dma_wait3A_144 = arith.constant 0 : i32
      %dma_wait3A_145 = tpu.memref_slice %arg11[%dma_wait3A_144] : memref<512xf32, #tpu.memory_space<vmem>> -> memref<16xf32, #tpu.memory_space<vmem>>
      %dma_wait3A_146 = arith.constant 0 : i32
      %dma_wait3A_147 = tpu.memref_slice %arg7[%add3A, %dma_wait3A_146] : memref<32x16xf32, #tpu.memory_space<hbm>> -> memref<1x16xf32, #tpu.memory_space<hbm>>
      %dma_wait3A_148 = tpu.memref_squeeze %dma_wait3A_147 : memref<1x16xf32, #tpu.memory_space<hbm>> -> memref<16xf32, #tpu.memory_space<hbm>>
      %dma_wait3A_149 = arith.constant 0 : i32
      %dma_wait3A_150 = tpu.memref_slice %arg7[%add3A, %dma_wait3A_149] : memref<32x16xf32, #tpu.memory_space<hbm>> -> memref<1x16xf32, #tpu.memory_space<hbm>>
      %dma_wait3A_151 = tpu.memref_squeeze %dma_wait3A_150 : memref<1x16xf32, #tpu.memory_space<hbm>> -> memref<16xf32, #tpu.memory_space<hbm>>
      %dma_wait3A_152 = arith.constant 0 : i32
      %dma_wait3A_153 = tpu.memref_slice %arg11[%dma_wait3A_152] : memref<512xf32, #tpu.memory_space<vmem>> -> memref<16xf32, #tpu.memory_space<vmem>>
      tpu.wait_dma2 semaphore(%run_scoped3A_133 : memref<!tpu.dma_semaphore, #tpu.memory_space<semaphore_mem>>) src(%dma_wait3A_153 : memref<16xf32, #tpu.memory_space<vmem>>) dst(%dma_wait3A_151 : memref<16xf32, #tpu.memory_space<hbm>>)
      tpu.yield
    }) : () -> ()
    %broadcast_in_dim3A_115 = arith.constant 1.000000e+00 : f32
    %broadcast_in_dim3A_116 = vector.broadcast %broadcast_in_dim3A_115 : f32 to vector<16xf32>
    %swap3A_117 = arith.constant 0 : index
    %swap3A_118 = tpu.vector_load %arg11[%swap3A_117] {strides = array<i32>} : memref<512xf32, #tpu.memory_space<vmem>>, vector<16xf32>,
    %swap3A_119 = vector.shape_cast %swap3A_118 : vector<16xf32> to vector<16xf32>
    %swap3A_120 = vector.shape_cast %broadcast_in_dim3A_116 : vector<16xf32> to vector<16xf32>
    tpu.vector_store %arg11[%swap3A_117], %swap3A_120 {strides = array<i32>} : memref<512xf32, #tpu.memory_space<vmem>>, vector<16xf32>,
    %eq3A = arith.constant 0 : i32
    %eq3A_121 = arith.cmpi eq, %arg1, %eq3A : i32
    %convert_element_type3A = arith.extui %eq3A_121 : i1 to i32
    %cond3A = arith.constant 0 : i32
    %cond3A_122 = arith.cmpi ne, %convert_element_type3A, %cond3A : i32
    scf.if %cond3A_122 {
      "tpu.region"() ({
        %run_scoped3A_133 = tpu.sem_alloc : memref<!tpu.dma_semaphore, #tpu.memory_space<semaphore_mem>>
        %dma_start3A_134 = arith.constant 0 : i32
        %dma_start3A_135 = tpu.memref_slice %arg13[%dma_start3A_134] : memref<8192xf32, #tpu.memory_space<vmem_shared>> -> memref<1024xf32, #tpu.memory_space<vmem_shared>>
        %dma_start3A_136 = arith.constant 0 : i32
        %dma_start3A_137 = tpu.memref_slice %arg13[%dma_start3A_136] : memref<8192xf32, #tpu.memory_space<vmem_shared>> -> memref<1024xf32, #tpu.memory_space<vmem_shared>>
        tpu.enqueue_dma source(%arg12 : memref<1024xf32, #tpu.memory_space<vmem>>) target(%dma_start3A_137 : memref<1024xf32, #tpu.memory_space<vmem_shared>>) target_semaphore(%run_scoped3A_133 : memref<!tpu.dma_semaphore, #tpu.memory_space<semaphore_mem>>)
        %dma_wait3A_138 = arith.constant 0 : i32
        %dma_wait3A_139 = tpu.memref_slice %arg13[%dma_wait3A_138] : memref<8192xf32, #tpu.memory_space<vmem_shared>> -> memref<1024xf32, #tpu.memory_space<vmem_shared>>
        %dma_wait3A_140 = arith.constant 0 : i32
        %dma_wait3A_141 = tpu.memref_slice %arg13[%dma_wait3A_140] : memref<8192xf32, #tpu.memory_space<vmem_shared>> -> memref<1024xf32, #tpu.memory_space<vmem_shared>>
        tpu.wait_dma2 semaphore(%run_scoped3A_133 : memref<!tpu.dma_semaphore, #tpu.memory_space<semaphore_mem>>) src(%arg12 : memref<1024xf32, #tpu.memory_space<vmem>>) dst(%dma_wait3A_141 : memref<1024xf32, #tpu.memory_space<vmem_shared>>)
        tpu.yield
      }) : () -> ()
      "tpu.region"() ({
        %run_scoped3A_133 = tpu.sem_alloc : memref<!tpu.dma_semaphore, #tpu.memory_space<semaphore_mem>>
        %dma_start3A_134 = arith.constant 1024 : i32
        %dma_start3A_135 = tpu.memref_slice %arg13[%dma_start3A_134] : memref<8192xf32, #tpu.memory_space<vmem_shared>> -> memref<1024xf32, #tpu.memory_space<vmem_shared>>
        %dma_start3A_136 = arith.constant 1024 : i32
        %dma_start3A_137 = tpu.memref_slice %arg13[%dma_start3A_136] : memref<8192xf32, #tpu.memory_space<vmem_shared>> -> memref<1024xf32, #tpu.memory_space<vmem_shared>>
        tpu.enqueue_dma source(%arg12 : memref<1024xf32, #tpu.memory_space<vmem>>) target(%dma_start3A_137 : memref<1024xf32, #tpu.memory_space<vmem_shared>>) target_semaphore(%run_scoped3A_133 : memref<!tpu.dma_semaphore, #tpu.memory_space<semaphore_mem>>)
        %dma_wait3A_138 = arith.constant 1024 : i32
        %dma_wait3A_139 = tpu.memref_slice %arg13[%dma_wait3A_138] : memref<8192xf32, #tpu.memory_space<vmem_shared>> -> memref<1024xf32, #tpu.memory_space<vmem_shared>>
        %dma_wait3A_140 = arith.constant 1024 : i32
        %dma_wait3A_141 = tpu.memref_slice %arg13[%dma_wait3A_140] : memref<8192xf32, #tpu.memory_space<vmem_shared>> -> memref<1024xf32, #tpu.memory_space<vmem_shared>>
        tpu.wait_dma2 semaphore(%run_scoped3A_133 : memref<!tpu.dma_semaphore, #tpu.memory_space<semaphore_mem>>) src(%arg12 : memref<1024xf32, #tpu.memory_space<vmem>>) dst(%dma_wait3A_141 : memref<1024xf32, #tpu.memory_space<vmem_shared>>)
        tpu.yield
      }) : () -> ()
      "tpu.region"() ({
        %run_scoped3A_133 = tpu.sem_alloc : memref<!tpu.dma_semaphore, #tpu.memory_space<semaphore_mem>>
        %dma_start3A_134 = arith.constant 2048 : i32
        %dma_start3A_135 = tpu.memref_slice %arg13[%dma_start3A_134] : memref<8192xf32, #tpu.memory_space<vmem_shared>> -> memref<1024xf32, #tpu.memory_space<vmem_shared>>
        %dma_start3A_136 = arith.constant 2048 : i32
        %dma_start3A_137 = tpu.memref_slice %arg13[%dma_start3A_136] : memref<8192xf32, #tpu.memory_space<vmem_shared>> -> memref<1024xf32, #tpu.memory_space<vmem_shared>>
        tpu.enqueue_dma source(%arg12 : memref<1024xf32, #tpu.memory_space<vmem>>) target(%dma_start3A_137 : memref<1024xf32, #tpu.memory_space<vmem_shared>>) target_semaphore(%run_scoped3A_133 : memref<!tpu.dma_semaphore, #tpu.memory_space<semaphore_mem>>)
        %dma_wait3A_138 = arith.constant 2048 : i32
        %dma_wait3A_139 = tpu.memref_slice %arg13[%dma_wait3A_138] : memref<8192xf32, #tpu.memory_space<vmem_shared>> -> memref<1024xf32, #tpu.memory_space<vmem_shared>>
        %dma_wait3A_140 = arith.constant 2048 : i32
        %dma_wait3A_141 = tpu.memref_slice %arg13[%dma_wait3A_140] : memref<8192xf32, #tpu.memory_space<vmem_shared>> -> memref<1024xf32, #tpu.memory_space<vmem_shared>>
        tpu.wait_dma2 semaphore(%run_scoped3A_133 : memref<!tpu.dma_semaphore, #tpu.memory_space<semaphore_mem>>) src(%arg12 : memref<1024xf32, #tpu.memory_space<vmem>>) dst(%dma_wait3A_141 : memref<1024xf32, #tpu.memory_space<vmem_shared>>)
        tpu.yield
      }) : () -> ()
      "tpu.region"() ({
        %run_scoped3A_133 = tpu.sem_alloc : memref<!tpu.dma_semaphore, #tpu.memory_space<semaphore_mem>>
        %dma_start3A_134 = arith.constant 3072 : i32
        %dma_start3A_135 = tpu.memref_slice %arg13[%dma_start3A_134] : memref<8192xf32, #tpu.memory_space<vmem_shared>> -> memref<1024xf32, #tpu.memory_space<vmem_shared>>
        %dma_start3A_136 = arith.constant 3072 : i32
        %dma_start3A_137 = tpu.memref_slice %arg13[%dma_start3A_136] : memref<8192xf32, #tpu.memory_space<vmem_shared>> -> memref<1024xf32, #tpu.memory_space<vmem_shared>>
        tpu.enqueue_dma source(%arg12 : memref<1024xf32, #tpu.memory_space<vmem>>) target(%dma_start3A_137 : memref<1024xf32, #tpu.memory_space<vmem_shared>>) target_semaphore(%run_scoped3A_133 : memref<!tpu.dma_semaphore, #tpu.memory_space<semaphore_mem>>)
        %dma_wait3A_138 = arith.constant 3072 : i32
        %dma_wait3A_139 = tpu.memref_slice %arg13[%dma_wait3A_138] : memref<8192xf32, #tpu.memory_space<vmem_shared>> -> memref<1024xf32, #tpu.memory_space<vmem_shared>>
        %dma_wait3A_140 = arith.constant 3072 : i32
        %dma_wait3A_141 = tpu.memref_slice %arg13[%dma_wait3A_140] : memref<8192xf32, #tpu.memory_space<vmem_shared>> -> memref<1024xf32, #tpu.memory_space<vmem_shared>>
        tpu.wait_dma2 semaphore(%run_scoped3A_133 : memref<!tpu.dma_semaphore, #tpu.memory_space<semaphore_mem>>) src(%arg12 : memref<1024xf32, #tpu.memory_space<vmem>>) dst(%dma_wait3A_141 : memref<1024xf32, #tpu.memory_space<vmem_shared>>)
        tpu.yield
      }) : () -> ()
      "tpu.region"() ({
        %run_scoped3A_133 = tpu.sem_alloc : memref<!tpu.dma_semaphore, #tpu.memory_space<semaphore_mem>>
        %dma_start3A_134 = arith.constant 4096 : i32
        %dma_start3A_135 = tpu.memref_slice %arg13[%dma_start3A_134] : memref<8192xf32, #tpu.memory_space<vmem_shared>> -> memref<1024xf32, #tpu.memory_space<vmem_shared>>
        %dma_start3A_136 = arith.constant 4096 : i32
        %dma_start3A_137 = tpu.memref_slice %arg13[%dma_start3A_136] : memref<8192xf32, #tpu.memory_space<vmem_shared>> -> memref<1024xf32, #tpu.memory_space<vmem_shared>>
        tpu.enqueue_dma source(%arg12 : memref<1024xf32, #tpu.memory_space<vmem>>) target(%dma_start3A_137 : memref<1024xf32, #tpu.memory_space<vmem_shared>>) target_semaphore(%run_scoped3A_133 : memref<!tpu.dma_semaphore, #tpu.memory_space<semaphore_mem>>)
        %dma_wait3A_138 = arith.constant 4096 : i32
        %dma_wait3A_139 = tpu.memref_slice %arg13[%dma_wait3A_138] : memref<8192xf32, #tpu.memory_space<vmem_shared>> -> memref<1024xf32, #tpu.memory_space<vmem_shared>>
        %dma_wait3A_140 = arith.constant 4096 : i32
        %dma_wait3A_141 = tpu.memref_slice %arg13[%dma_wait3A_140] : memref<8192xf32, #tpu.memory_space<vmem_shared>> -> memref<1024xf32, #tpu.memory_space<vmem_shared>>
        tpu.wait_dma2 semaphore(%run_scoped3A_133 : memref<!tpu.dma_semaphore, #tpu.memory_space<semaphore_mem>>) src(%arg12 : memref<1024xf32, #tpu.memory_space<vmem>>) dst(%dma_wait3A_141 : memref<1024xf32, #tpu.memory_space<vmem_shared>>)
        tpu.yield
      }) : () -> ()
      "tpu.region"() ({
        %run_scoped3A_133 = tpu.sem_alloc : memref<!tpu.dma_semaphore, #tpu.memory_space<semaphore_mem>>
        %dma_start3A_134 = arith.constant 5120 : i32
        %dma_start3A_135 = tpu.memref_slice %arg13[%dma_start3A_134] : memref<8192xf32, #tpu.memory_space<vmem_shared>> -> memref<1024xf32, #tpu.memory_space<vmem_shared>>
        %dma_start3A_136 = arith.constant 5120 : i32
        %dma_start3A_137 = tpu.memref_slice %arg13[%dma_start3A_136] : memref<8192xf32, #tpu.memory_space<vmem_shared>> -> memref<1024xf32, #tpu.memory_space<vmem_shared>>
        tpu.enqueue_dma source(%arg12 : memref<1024xf32, #tpu.memory_space<vmem>>) target(%dma_start3A_137 : memref<1024xf32, #tpu.memory_space<vmem_shared>>) target_semaphore(%run_scoped3A_133 : memref<!tpu.dma_semaphore, #tpu.memory_space<semaphore_mem>>)
        %dma_wait3A_138 = arith.constant 5120 : i32
        %dma_wait3A_139 = tpu.memref_slice %arg13[%dma_wait3A_138] : memref<8192xf32, #tpu.memory_space<vmem_shared>> -> memref<1024xf32, #tpu.memory_space<vmem_shared>>
        %dma_wait3A_140 = arith.constant 5120 : i32
        %dma_wait3A_141 = tpu.memref_slice %arg13[%dma_wait3A_140] : memref<8192xf32, #tpu.memory_space<vmem_shared>> -> memref<1024xf32, #tpu.memory_space<vmem_shared>>
        tpu.wait_dma2 semaphore(%run_scoped3A_133 : memref<!tpu.dma_semaphore, #tpu.memory_space<semaphore_mem>>) src(%arg12 : memref<1024xf32, #tpu.memory_space<vmem>>) dst(%dma_wait3A_141 : memref<1024xf32, #tpu.memory_space<vmem_shared>>)
        tpu.yield
      }) : () -> ()
      "tpu.region"() ({
        %run_scoped3A_133 = tpu.sem_alloc : memref<!tpu.dma_semaphore, #tpu.memory_space<semaphore_mem>>
        %dma_start3A_134 = arith.constant 6144 : i32
        %dma_start3A_135 = tpu.memref_slice %arg13[%dma_start3A_134] : memref<8192xf32, #tpu.memory_space<vmem_shared>> -> memref<1024xf32, #tpu.memory_space<vmem_shared>>
        %dma_start3A_136 = arith.constant 6144 : i32
        %dma_start3A_137 = tpu.memref_slice %arg13[%dma_start3A_136] : memref<8192xf32, #tpu.memory_space<vmem_shared>> -> memref<1024xf32, #tpu.memory_space<vmem_shared>>
        tpu.enqueue_dma source(%arg12 : memref<1024xf32, #tpu.memory_space<vmem>>) target(%dma_start3A_137 : memref<1024xf32, #tpu.memory_space<vmem_shared>>) target_semaphore(%run_scoped3A_133 : memref<!tpu.dma_semaphore, #tpu.memory_space<semaphore_mem>>)
        %dma_wait3A_138 = arith.constant 6144 : i32
        %dma_wait3A_139 = tpu.memref_slice %arg13[%dma_wait3A_138] : memref<8192xf32, #tpu.memory_space<vmem_shared>> -> memref<1024xf32, #tpu.memory_space<vmem_shared>>
        %dma_wait3A_140 = arith.constant 6144 : i32
        %dma_wait3A_141 = tpu.memref_slice %arg13[%dma_wait3A_140] : memref<8192xf32, #tpu.memory_space<vmem_shared>> -> memref<1024xf32, #tpu.memory_space<vmem_shared>>
        tpu.wait_dma2 semaphore(%run_scoped3A_133 : memref<!tpu.dma_semaphore, #tpu.memory_space<semaphore_mem>>) src(%arg12 : memref<1024xf32, #tpu.memory_space<vmem>>) dst(%dma_wait3A_141 : memref<1024xf32, #tpu.memory_space<vmem_shared>>)
        tpu.yield
      }) : () -> ()
      "tpu.region"() ({
        %run_scoped3A_133 = tpu.sem_alloc : memref<!tpu.dma_semaphore, #tpu.memory_space<semaphore_mem>>
        %dma_start3A_134 = arith.constant 7168 : i32
        %dma_start3A_135 = tpu.memref_slice %arg13[%dma_start3A_134] : memref<8192xf32, #tpu.memory_space<vmem_shared>> -> memref<1024xf32, #tpu.memory_space<vmem_shared>>
        %dma_start3A_136 = arith.constant 7168 : i32
        %dma_start3A_137 = tpu.memref_slice %arg13[%dma_start3A_136] : memref<8192xf32, #tpu.memory_space<vmem_shared>> -> memref<1024xf32, #tpu.memory_space<vmem_shared>>
        tpu.enqueue_dma source(%arg12 : memref<1024xf32, #tpu.memory_space<vmem>>) target(%dma_start3A_137 : memref<1024xf32, #tpu.memory_space<vmem_shared>>) target_semaphore(%run_scoped3A_133 : memref<!tpu.dma_semaphore, #tpu.memory_space<semaphore_mem>>)
        %dma_wait3A_138 = arith.constant 7168 : i32
        %dma_wait3A_139 = tpu.memref_slice %arg13[%dma_wait3A_138] : memref<8192xf32, #tpu.memory_space<vmem_shared>> -> memref<1024xf32, #tpu.memory_space<vmem_shared>>
        %dma_wait3A_140 = arith.constant 7168 : i32
        %dma_wait3A_141 = tpu.memref_slice %arg13[%dma_wait3A_140] : memref<8192xf32, #tpu.memory_space<vmem_shared>> -> memref<1024xf32, #tpu.memory_space<vmem_shared>>
        tpu.wait_dma2 semaphore(%run_scoped3A_133 : memref<!tpu.dma_semaphore, #tpu.memory_space<semaphore_mem>>) src(%arg12 : memref<1024xf32, #tpu.memory_space<vmem>>) dst(%dma_wait3A_141 : memref<1024xf32, #tpu.memory_space<vmem_shared>>)
        tpu.yield
      }) : () -> ()
    } else {
    }
    %barrier3A = arith.constant 0 : index
    tpu.barrier barrier_id(%barrier3A)
    %run_scoped3A_123 = arith.constant 0 : i32
    "tpu.region"() ({
      %run_scoped3A_133 = tpu.sem_alloc : memref<!tpu.dma_semaphore, #tpu.memory_space<semaphore_mem>>
      %dma_start3A_134 = arith.constant 0 : i32
      %dma_start3A_135 = tpu.memref_slice %arg11[%dma_start3A_134] : memref<512xf32, #tpu.memory_space<vmem>> -> memref<128xf32, #tpu.memory_space<vmem>>
      %dma_start3A_136 = arith.constant 0 : i32
      %dma_start3A_137 = tpu.memref_slice %arg8[%run_scoped3A_123, %dma_start3A_136] : memref<4x128xi32, #tpu.memory_space<vmem>> -> memref<1x128xi32, #tpu.memory_space<vmem>>
      %dma_start3A_138 = tpu.memref_squeeze %dma_start3A_137 : memref<1x128xi32, #tpu.memory_space<vmem>> -> memref<128xi32, #tpu.memory_space<vmem>>
      %dma_start3A_139 = arith.constant 0 : i32
      %dma_start3A_140 = tpu.memref_slice %arg13[%dma_start3A_139] : memref<8192xf32, #tpu.memory_space<vmem_shared>> -> memref<8192xf32, #tpu.memory_space<vmem_shared>>
      tpu.enqueue_indirect_dma source(%dma_start3A_135 : memref<128xf32, #tpu.memory_space<vmem>>) target(%dma_start3A_140 : memref<8192xf32, #tpu.memory_space<vmem_shared>>) offsets(%dma_start3A_138 : memref<128xi32, #tpu.memory_space<vmem>>) semaphore(%run_scoped3A_133 : memref<!tpu.dma_semaphore, #tpu.memory_space<semaphore_mem>>) {add = true}
      %dma_wait3A_141 = arith.constant 0 : i32
      %dma_wait3A_142 = tpu.memref_slice %arg11[%dma_wait3A_141] : memref<512xf32, #tpu.memory_space<vmem>> -> memref<128xf32, #tpu.memory_space<vmem>>
      %dma_wait3A_143 = arith.constant 0 : i32
      %dma_wait3A_144 = tpu.memref_slice %arg8[%run_scoped3A_123, %dma_wait3A_143] : memref<4x128xi32, #tpu.memory_space<vmem>> -> memref<1x128xi32, #tpu.memory_space<vmem>>
      %dma_wait3A_145 = tpu.memref_squeeze %dma_wait3A_144 : memref<1x128xi32, #tpu.memory_space<vmem>> -> memref<128xi32, #tpu.memory_space<vmem>>
      %dma_wait3A_146 = arith.constant 0 : i32
      %dma_wait3A_147 = tpu.memref_slice %arg13[%dma_wait3A_146] : memref<8192xf32, #tpu.memory_space<vmem_shared>> -> memref<8192xf32, #tpu.memory_space<vmem_shared>>
      tpu.wait_indirect_dma semaphore(%run_scoped3A_133 : memref<!tpu.dma_semaphore, #tpu.memory_space<semaphore_mem>>) src(%dma_wait3A_142 : memref<128xf32, #tpu.memory_space<vmem>>) dst(%dma_wait3A_147 : memref<8192xf32, #tpu.memory_space<vmem_shared>>)
      tpu.yield
    }) : () -> ()
    %run_scoped3A_124 = arith.constant 1 : i32
    "tpu.region"() ({
      %run_scoped3A_133 = tpu.sem_alloc : memref<!tpu.dma_semaphore, #tpu.memory_space<semaphore_mem>>
      %dma_start3A_134 = arith.constant 128 : i32
      %dma_start3A_135 = tpu.memref_slice %arg11[%dma_start3A_134] : memref<512xf32, #tpu.memory_space<vmem>> -> memref<128xf32, #tpu.memory_space<vmem>>
      %dma_start3A_136 = arith.constant 0 : i32
      %dma_start3A_137 = tpu.memref_slice %arg8[%run_scoped3A_124, %dma_start3A_136] : memref<4x128xi32, #tpu.memory_space<vmem>> -> memref<1x128xi32, #tpu.memory_space<vmem>>
      %dma_start3A_138 = tpu.memref_squeeze %dma_start3A_137 : memref<1x128xi32, #tpu.memory_space<vmem>> -> memref<128xi32, #tpu.memory_space<vmem>>
      %dma_start3A_139 = arith.constant 0 : i32
      %dma_start3A_140 = tpu.memref_slice %arg13[%dma_start3A_139] : memref<8192xf32, #tpu.memory_space<vmem_shared>> -> memref<8192xf32, #tpu.memory_space<vmem_shared>>
      tpu.enqueue_indirect_dma source(%dma_start3A_135 : memref<128xf32, #tpu.memory_space<vmem>>) target(%dma_start3A_140 : memref<8192xf32, #tpu.memory_space<vmem_shared>>) offsets(%dma_start3A_138 : memref<128xi32, #tpu.memory_space<vmem>>) semaphore(%run_scoped3A_133 : memref<!tpu.dma_semaphore, #tpu.memory_space<semaphore_mem>>) {add = true}
      %dma_wait3A_141 = arith.constant 128 : i32
      %dma_wait3A_142 = tpu.memref_slice %arg11[%dma_wait3A_141] : memref<512xf32, #tpu.memory_space<vmem>> -> memref<128xf32, #tpu.memory_space<vmem>>
      %dma_wait3A_143 = arith.constant 0 : i32
      %dma_wait3A_144 = tpu.memref_slice %arg8[%run_scoped3A_124, %dma_wait3A_143] : memref<4x128xi32, #tpu.memory_space<vmem>> -> memref<1x128xi32, #tpu.memory_space<vmem>>
      %dma_wait3A_145 = tpu.memref_squeeze %dma_wait3A_144 : memref<1x128xi32, #tpu.memory_space<vmem>> -> memref<128xi32, #tpu.memory_space<vmem>>
      %dma_wait3A_146 = arith.constant 0 : i32
      %dma_wait3A_147 = tpu.memref_slice %arg13[%dma_wait3A_146] : memref<8192xf32, #tpu.memory_space<vmem_shared>> -> memref<8192xf32, #tpu.memory_space<vmem_shared>>
      tpu.wait_indirect_dma semaphore(%run_scoped3A_133 : memref<!tpu.dma_semaphore, #tpu.memory_space<semaphore_mem>>) src(%dma_wait3A_142 : memref<128xf32, #tpu.memory_space<vmem>>) dst(%dma_wait3A_147 : memref<8192xf32, #tpu.memory_space<vmem_shared>>)
      tpu.yield
    }) : () -> ()
    %run_scoped3A_125 = arith.constant 2 : i32
    "tpu.region"() ({
      %run_scoped3A_133 = tpu.sem_alloc : memref<!tpu.dma_semaphore, #tpu.memory_space<semaphore_mem>>
      %dma_start3A_134 = arith.constant 256 : i32
      %dma_start3A_135 = tpu.memref_slice %arg11[%dma_start3A_134] : memref<512xf32, #tpu.memory_space<vmem>> -> memref<128xf32, #tpu.memory_space<vmem>>
      %dma_start3A_136 = arith.constant 0 : i32
      %dma_start3A_137 = tpu.memref_slice %arg8[%run_scoped3A_125, %dma_start3A_136] : memref<4x128xi32, #tpu.memory_space<vmem>> -> memref<1x128xi32, #tpu.memory_space<vmem>>
      %dma_start3A_138 = tpu.memref_squeeze %dma_start3A_137 : memref<1x128xi32, #tpu.memory_space<vmem>> -> memref<128xi32, #tpu.memory_space<vmem>>
      %dma_start3A_139 = arith.constant 0 : i32
      %dma_start3A_140 = tpu.memref_slice %arg13[%dma_start3A_139] : memref<8192xf32, #tpu.memory_space<vmem_shared>> -> memref<8192xf32, #tpu.memory_space<vmem_shared>>
      tpu.enqueue_indirect_dma source(%dma_start3A_135 : memref<128xf32, #tpu.memory_space<vmem>>) target(%dma_start3A_140 : memref<8192xf32, #tpu.memory_space<vmem_shared>>) offsets(%dma_start3A_138 : memref<128xi32, #tpu.memory_space<vmem>>) semaphore(%run_scoped3A_133 : memref<!tpu.dma_semaphore, #tpu.memory_space<semaphore_mem>>) {add = true}
      %dma_wait3A_141 = arith.constant 256 : i32
      %dma_wait3A_142 = tpu.memref_slice %arg11[%dma_wait3A_141] : memref<512xf32, #tpu.memory_space<vmem>> -> memref<128xf32, #tpu.memory_space<vmem>>
      %dma_wait3A_143 = arith.constant 0 : i32
      %dma_wait3A_144 = tpu.memref_slice %arg8[%run_scoped3A_125, %dma_wait3A_143] : memref<4x128xi32, #tpu.memory_space<vmem>> -> memref<1x128xi32, #tpu.memory_space<vmem>>
      %dma_wait3A_145 = tpu.memref_squeeze %dma_wait3A_144 : memref<1x128xi32, #tpu.memory_space<vmem>> -> memref<128xi32, #tpu.memory_space<vmem>>
      %dma_wait3A_146 = arith.constant 0 : i32
      %dma_wait3A_147 = tpu.memref_slice %arg13[%dma_wait3A_146] : memref<8192xf32, #tpu.memory_space<vmem_shared>> -> memref<8192xf32, #tpu.memory_space<vmem_shared>>
      tpu.wait_indirect_dma semaphore(%run_scoped3A_133 : memref<!tpu.dma_semaphore, #tpu.memory_space<semaphore_mem>>) src(%dma_wait3A_142 : memref<128xf32, #tpu.memory_space<vmem>>) dst(%dma_wait3A_147 : memref<8192xf32, #tpu.memory_space<vmem_shared>>)
      tpu.yield
    }) : () -> ()
    %run_scoped3A_126 = arith.constant 3 : i32
    "tpu.region"() ({
      %run_scoped3A_133 = tpu.sem_alloc : memref<!tpu.dma_semaphore, #tpu.memory_space<semaphore_mem>>
      %dma_start3A_134 = arith.constant 384 : i32
      %dma_start3A_135 = tpu.memref_slice %arg11[%dma_start3A_134] : memref<512xf32, #tpu.memory_space<vmem>> -> memref<128xf32, #tpu.memory_space<vmem>>
      %dma_start3A_136 = arith.constant 0 : i32
      %dma_start3A_137 = tpu.memref_slice %arg8[%run_scoped3A_126, %dma_start3A_136] : memref<4x128xi32, #tpu.memory_space<vmem>> -> memref<1x128xi32, #tpu.memory_space<vmem>>
      %dma_start3A_138 = tpu.memref_squeeze %dma_start3A_137 : memref<1x128xi32, #tpu.memory_space<vmem>> -> memref<128xi32, #tpu.memory_space<vmem>>
      %dma_start3A_139 = arith.constant 0 : i32
      %dma_start3A_140 = tpu.memref_slice %arg13[%dma_start3A_139] : memref<8192xf32, #tpu.memory_space<vmem_shared>> -> memref<8192xf32, #tpu.memory_space<vmem_shared>>
      tpu.enqueue_indirect_dma source(%dma_start3A_135 : memref<128xf32, #tpu.memory_space<vmem>>) target(%dma_start3A_140 : memref<8192xf32, #tpu.memory_space<vmem_shared>>) offsets(%dma_start3A_138 : memref<128xi32, #tpu.memory_space<vmem>>) semaphore(%run_scoped3A_133 : memref<!tpu.dma_semaphore, #tpu.memory_space<semaphore_mem>>) {add = true}
      %dma_wait3A_141 = arith.constant 384 : i32
      %dma_wait3A_142 = tpu.memref_slice %arg11[%dma_wait3A_141] : memref<512xf32, #tpu.memory_space<vmem>> -> memref<128xf32, #tpu.memory_space<vmem>>
      %dma_wait3A_143 = arith.constant 0 : i32
      %dma_wait3A_144 = tpu.memref_slice %arg8[%run_scoped3A_126, %dma_wait3A_143] : memref<4x128xi32, #tpu.memory_space<vmem>> -> memref<1x128xi32, #tpu.memory_space<vmem>>
      %dma_wait3A_145 = tpu.memref_squeeze %dma_wait3A_144 : memref<1x128xi32, #tpu.memory_space<vmem>> -> memref<128xi32, #tpu.memory_space<vmem>>
      %dma_wait3A_146 = arith.constant 0 : i32
      %dma_wait3A_147 = tpu.memref_slice %arg13[%dma_wait3A_146] : memref<8192xf32, #tpu.memory_space<vmem_shared>> -> memref<8192xf32, #tpu.memory_space<vmem_shared>>
      tpu.wait_indirect_dma semaphore(%run_scoped3A_133 : memref<!tpu.dma_semaphore, #tpu.memory_space<semaphore_mem>>) src(%dma_wait3A_142 : memref<128xf32, #tpu.memory_space<vmem>>) dst(%dma_wait3A_147 : memref<8192xf32, #tpu.memory_space<vmem_shared>>)
      tpu.yield
    }) : () -> ()
    %barrier3A_127 = arith.constant 0 : index
    tpu.barrier barrier_id(%barrier3A_127)
    %eq3A_128 = arith.constant 0 : i32
    %eq3A_129 = arith.cmpi eq, %arg1, %eq3A_128 : i32
    %convert_element_type3A_130 = arith.extui %eq3A_129 : i1 to i32
    %cond3A_131 = arith.constant 0 : i32
    %cond3A_132 = arith.cmpi ne, %convert_element_type3A_130, %cond3A_131 : i32
    scf.if %cond3A_132 {
      "tpu.region"() ({
        %run_scoped3A_133 = tpu.sem_alloc : memref<!tpu.dma_semaphore, #tpu.memory_space<semaphore_mem>>
        %dma_start3A_134 = arith.constant 0 : i32
        %dma_start3A_135 = tpu.memref_slice %arg6[%arg0, %dma_start3A_134] : memref<2x8192xf32, #tpu.memory_space<hbm>> -> memref<1x8192xf32, #tpu.memory_space<hbm>>
        %dma_start3A_136 = tpu.memref_squeeze %dma_start3A_135 : memref<1x8192xf32, #tpu.memory_space<hbm>> -> memref<8192xf32, #tpu.memory_space<hbm>>
        tpu.enqueue_dma source(%arg13 : memref<8192xf32, #tpu.memory_space<vmem_shared>>) target(%dma_start3A_136 : memref<8192xf32, #tpu.memory_space<hbm>>) target_semaphore(%run_scoped3A_133 : memref<!tpu.dma_semaphore, #tpu.memory_space<semaphore_mem>>)
        %dma_wait3A_137 = arith.constant 0 : i32
        %dma_wait3A_138 = tpu.memref_slice %arg6[%arg0, %dma_wait3A_137] : memref<2x8192xf32, #tpu.memory_space<hbm>> -> memref<1x8192xf32, #tpu.memory_space<hbm>>
        %dma_wait3A_139 = tpu.memref_squeeze %dma_wait3A_138 : memref<1x8192xf32, #tpu.memory_space<hbm>> -> memref<8192xf32, #tpu.memory_space<hbm>>
        tpu.wait_dma2 semaphore(%run_scoped3A_133 : memref<!tpu.dma_semaphore, #tpu.memory_space<semaphore_mem>>) src(%arg13 : memref<8192xf32, #tpu.memory_space<vmem_shared>>) dst(%dma_wait3A_139 : memref<8192xf32, #tpu.memory_space<hbm>>)
        tpu.yield
      }) : () -> ()
    } else {
    }
    return
  }
}

module attributes {stable_mosaic.version = 14 : i64} {
  func.func @_epi_body(%arg0: memref<2x8192xf32, #tpu.memory_space<vmem>>, %arg1: memref<32x16xf32, #tpu.memory_space<vmem>>, %arg2: memref<1x1xf32, #tpu.memory_space<vmem>>, %arg3: memref<1x1xf32, #tpu.memory_space<vmem>>) attributes {dimension_semantics = [], scalar_prefetch = 0 : i64, scratch_operands = 0 : i64, tpu.core_type = #tpu.core_type<tc>} {
    %get3A = arith.constant 0 : index
    %get3A_0 = arith.constant 0 : index
    %get3A_1 = vector.load %arg0[%get3A, %get3A_0] : memref<2x8192xf32, #tpu.memory_space<vmem>>, vector<2x8192xf32>
    %slice3A = vector.extract_strided_slice %get3A_1 {offsets = [0, 0], sizes = [1, 8192], strides = [1, 1]} : vector<2x8192xf32> to vector<1x8192xf32>
    %slice3A_2 = vector.extract_strided_slice %get3A_1 {offsets = [1, 0], sizes = [1, 8192], strides = [1, 1]} : vector<2x8192xf32> to vector<1x8192xf32>
    %add3A = arith.addf %slice3A, %slice3A_2 : vector<1x8192xf32>
    %mul3A = arith.constant 6.10351563E-5 : f32
    %mul3A_3 = vector.broadcast %mul3A : f32 to vector<1x8192xf32>
    %mul3A_4 = arith.mulf %add3A, %mul3A_3 : vector<1x8192xf32>
    %add3A_5 = arith.constant 1.000000e-10 : f32
    %add3A_6 = vector.broadcast %add3A_5 : f32 to vector<1x8192xf32>
    %add3A_7 = arith.addf %mul3A_4, %add3A_6 : vector<1x8192xf32>
    %log3A = math.log %add3A_7 : vector<1x8192xf32>
    %mul3A_8 = arith.mulf %mul3A_4, %log3A : vector<1x8192xf32>
    %reduce_sum3A = vector.shape_cast %mul3A_8 : vector<1x8192xf32> to vector<1x1x8192xf32>
    %reduce_sum3A_9 = arith.constant dense<0.000000e+00> : vector<1xf32>
    %reduce_sum3A_10 = vector.multi_reduction <add>, %reduce_sum3A, %reduce_sum3A_9 [1, 2] : vector<1x1x8192xf32> to vector<1xf32>
    %reduce_sum3A_11 = vector.shape_cast %reduce_sum3A_10 : vector<1xf32> to vector<1x1x1xf32>
    %reduce_sum3A_12 = vector.extract %reduce_sum3A_11[0, 0, 0] : f32 from vector<1x1x1xf32>
    %get3A_13 = arith.constant 0 : index
    %get3A_14 = arith.constant 0 : index
    %get3A_15 = vector.load %arg1[%get3A_13, %get3A_14] : memref<32x16xf32, #tpu.memory_space<vmem>>, vector<32x16xf32>
    %reduce_sum3A_16 = vector.shape_cast %get3A_15 : vector<32x16xf32> to vector<1x32x16xf32>
    %reduce_sum3A_17 = arith.constant dense<0.000000e+00> : vector<1xf32>
    %reduce_sum3A_18 = vector.multi_reduction <add>, %reduce_sum3A_16, %reduce_sum3A_17 [1, 2] : vector<1x32x16xf32> to vector<1xf32>
    %reduce_sum3A_19 = vector.shape_cast %reduce_sum3A_18 : vector<1xf32> to vector<1x1x1xf32>
    %reduce_sum3A_20 = vector.extract %reduce_sum3A_19[0, 0, 0] : f32 from vector<1x1x1xf32>
    %div3A = arith.constant 5.242880e+05 : f32
    %div3A_21 = arith.divf %reduce_sum3A_20, %div3A : f32
    %mul3A_22 = arith.constant 1.250000e+00 : f32
    %mul3A_23 = arith.mulf %mul3A_22, %div3A_21 : f32
    %broadcast_in_dim3A = vector.broadcast %mul3A_23 : f32 to vector<1x1xf32>
    %swap3A = arith.constant 0 : index
    %swap3A_24 = arith.constant 0 : index
    %swap3A_25 = vector.load %arg2[%swap3A, %swap3A_24] : memref<1x1xf32, #tpu.memory_space<vmem>>, vector<1x1xf32>
    tpu.vector_store %arg2[%swap3A, %swap3A_24], %broadcast_in_dim3A {strides = array<i32>} : memref<1x1xf32, #tpu.memory_space<vmem>>, vector<1x1xf32>,
    %neg3A = arith.constant 0.000000e+00 : f32
    %neg3A_26 = arith.subf %neg3A, %reduce_sum3A_12 : f32
    %exp3A = math.exp %neg3A_26 : f32
    %broadcast_in_dim3A_27 = vector.broadcast %exp3A : f32 to vector<1x1xf32>
    %swap3A_28 = arith.constant 0 : index
    %swap3A_29 = arith.constant 0 : index
    %swap3A_30 = vector.load %arg3[%swap3A_28, %swap3A_29] : memref<1x1xf32, #tpu.memory_space<vmem>>, vector<1x1xf32>
    tpu.vector_store %arg3[%swap3A_28, %swap3A_29], %broadcast_in_dim3A_27 {strides = array<i32>} : memref<1x1xf32, #tpu.memory_space<vmem>>, vector<1x1xf32>,
    return
  }
}

</mosaic_0001>

<sc_bundles>
// kernel: kernel.4.cloned.1.call-start
scs
__scs_entry_jumppad:
0x0: {  	(pc) =	sbr.rel $0x88, $3  }
0x1: {  	(tag) =	ssettag $0x0;
	lr =	simm.s32 $0x1  }
0x2: {  	[smem:$0x3F9F] =	sst lr;
	_ =	strace $0xD0000000  }
0x3: {  	_ = 	snop  }
0x4: {  	_ = 	snop  }
0x5: {  	_ = 	snop  }
0x6: {  	_ = 	snop  }
0x7: {  	_ = 	snop  }
__scs_overlays_trampoline_lowered:
0x8: {  	[smem:$0x3FAE] =	sst s0  }
0x9: {  	[smem:$0x3FAF] =	sst s1  }
0xa: {  	[smem:$0x3FB0] =	sst s2  }
0xb: {  	[smem:$0x3FB1] =	sst s3  }
0xc: {  	[smem:$0x3FB2] =	sst s4  }
0xd: {  	[smem:$0x3FB3] =	sst s5  }
0xe: {  	[smem:$0x3FB4] =	sst s6  }
0xf: {  	[smem:$0x3FB5] =	sst s7  }
0x10: {  	[smem:$0x3FB6] =	sst s8  }
0x11: {  	[smem:$0x3FB7] =	sst s9;
	s0 =	simm.s32 @!p0 $0x0  }
0x12: {  	s1 =	sld [smem:$0x3F9D];
	s0 =	simm.s32 @p0 $0x1  }
0x13: {  	[smem:$0x3FB8] =	sst s0;
	s0 =	simm.s32 @!p1 $0x0  }
0x14: {  	s2 =	sld [smem:$0x3F9C];
	s0 =	simm.s32 @p1 $0x1  }
0x15: {  	[smem:$0x3FB9] =	sst s0;
	s0 =	simm.s32 @!p2 $0x0  }
0x16: {  	s3 =	sld [smem:$0x3FDB];
	s0 =	simm.s32 @p2 $0x1  }
0x17: {  	s4 =	simm.s32 $0x1BF5;
	[smem:$0x3FBB] =	sst s0  }
0x18: {  	s0 =	sld [smem:$0x3F9E];
	_ =	swait.ge [sflag:s4], $0x0  }
0x19: {  	s7 =	sld [smem:$0x3F9F]  }
0x1a: {  	s8 =	sadd.s32 $0xFFFFE003, lr  }
0x1b: {  	s9 =	sadd.s32 $0xFFFFFEF7, lr;
	s5 =	simm.s32 $0xFFFFFFFF;
	p2 =	slt.u32 s8, $0xFFFFF086  }
0x1c: {  	p1 =	slt.u32 s9, $0xF7A;
	s5 =	simm.s32 @!p2 $0x0  }
0x1d: {  	s5 =	simm.s32 @p1 $0x1;
	p0 =	seq.s32 s7, s2  }
0x1e: {  	s7 =	smul.u32 @!p0 $0xF7A, s2;
	p2 =	seq.s32 @!p0 s5, $0x0  }
0x1f: {  	s9 =	smul.u32 $0xF7A, s1;
	s8 =	simm.s32 @!p0 $0x1BF5;
	p2 =	por !p2, p0  }
0x20: {  	[sflag:s8] =	ssyncset.s32 @!p0 $0xFFFFF086;
	s6 =	sadd.s32 @!p0 s3, s7;
	s7 =	simm.s32 @!p0 $0x108  }
0x21: {  	s3 =	sadd.s32 s3, s9;
	s6 =	sadd.s32 @!p0 $0x88, s6;
	s7 =	simm.s32 @p2 $0x1082  }
0x22: {  	[simem:s7], [sflag:s8] =	dma.local @!p0 [hbm:s6], $0xF7A  }
0x23: {  	s9 =	sor.u32 $0xD0000000, s2;
	s6 =	simm.s32 $0x108;
	_ =	swait.ge @!p0 [sflag:s8], $0x0  }
0x24: {  	s3 =	sadd.s32 $0x88, s3;
	s6 =	simm.s32 @!p1 $0x1082;
	[sflag:s4] =	ssyncset.s32 $0xFFFFF086  }
0x25: {  	[simem:s6], [sflag:s4] =	dma.local [hbm:s3], $0xF7A  }
0x26: {  	[smem:$0x3F9F] =	sst s1;
	(tag) =	ssettag s2;
	_ =	strace s9  }
0x27: {  	s1 =	sld [smem:$0x3FAF]  }
0x28: {  	s2 =	sld [smem:$0x3FB0]  }
0x29: {  	s4 =	sld [smem:$0x3FB2]  }
0x2a: {  	p0 =	seq.s32 s5, $0x0;
	s5 =	sld [smem:$0x3FB3]  }
0x2b: {  	s6 =	sld [smem:$0x3FB4]  }
0x2c: {  	s7 =	sld [smem:$0x3FB5]  }
0x2d: {  	s3 =	simm.s32 $0x108;
	s8 =	sld [smem:$0x3FB6]  }
0x2e: {  	s3 =	simm.s32 @!p0 $0x1082;
	s9 =	sld [smem:$0x3FB7]  }
0x2f: {  	lr =	sadd.s32 s0, s3;
	s0 =	sld [smem:$0x3FAE]  }
0x30: {  	s3 =	sld [smem:$0x3FB1]  }
0x31: {  	[smem:$0x3FBA] =	sst s10  }
0x32: {  	s10 =	sld [smem:$0x3FB8];
	_ =	sdelay $0x3  }
0x33: {  	p0 =	seq.s32 s10, $0x1;
	s10 =	sld [smem:$0x3FBA];
	_ =	sdelay $0x3  }
0x34: {  	[smem:$0x3FBA] =	sst s10  }
0x35: {  	s10 =	sld [smem:$0x3FB9];
	_ =	sdelay $0x3  }
0x36: {  	p1 =	seq.s32 s10, $0x1;
	s10 =	sld [smem:$0x3FBA];
	_ =	sdelay $0x3  }
0x37: {  	[smem:$0x3FBA] =	sst s10  }
0x38: {  	s10 =	sld [smem:$0x3FBB]  }
0x39: {  	_ = 	snop;
	(pc) =	sbr.ind lr, $3  }
0x3a: {  	_ = 	snop  }
0x3b: {  	_ = 	snop  }
0x3c: {  	p2 =	seq.s32 s10, $0x1;
	s10 =	sld [smem:$0x3FBA]  }
0x3d: {  	_ =	shalt  }
0x3e: {  	_ =	shalt  }
0x3f: {  	_ =	shalt  }
0x40: {  	_ =	shalt  }
0x41: {  	_ =	shalt  }
0x42: {  	_ =	shalt  }
0x43: {  	_ =	shalt  }
0x44: {  	_ =	shalt  }
0x45: {  	_ =	shalt  }
0x46: {  	_ =	shalt  }
0x47: {  	_ =	shalt  }
0x48: {  	_ =	shalt  }
0x49: {  	_ =	shalt  }
0x4a: {  	_ =	shalt  }
0x4b: {  	_ =	shalt  }
0x4c: {  	_ =	shalt  }
0x4d: {  	_ =	shalt  }
0x4e: {  	_ =	shalt  }
0x4f: {  	_ =	shalt  }
0x50: {  	_ =	shalt  }
0x51: {  	_ =	shalt  }
0x52: {  	_ =	shalt  }
0x53: {  	_ =	shalt  }
0x54: {  	_ =	shalt  }
0x55: {  	_ =	shalt  }
0x56: {  	_ =	shalt  }
0x57: {  	_ =	shalt  }
0x58: {  	_ =	shalt  }
0x59: {  	_ =	shalt  }
0x5a: {  	_ =	shalt  }
0x5b: {  	_ =	shalt  }
0x5c: {  	_ =	shalt  }
0x5d: {  	_ =	shalt  }
0x5e: {  	_ =	shalt  }
0x5f: {  	_ =	shalt  }
0x60: {  	_ =	shalt  }
0x61: {  	_ =	shalt  }
0x62: {  	_ =	shalt  }
0x63: {  	_ =	shalt  }
0x64: {  	_ =	shalt  }
0x65: {  	_ =	shalt  }
0x66: {  	_ =	shalt  }
0x67: {  	_ =	shalt  }
0x68: {  	_ =	shalt  }
0x69: {  	_ =	shalt  }
0x6a: {  	_ =	shalt  }
0x6b: {  	_ =	shalt  }
0x6c: {  	_ =	shalt  }
0x6d: {  	_ =	shalt  }
0x6e: {  	_ =	shalt  }
0x6f: {  	_ =	shalt  }
0x70: {  	_ =	shalt  }
0x71: {  	_ =	shalt  }
0x72: {  	_ =	shalt  }
0x73: {  	_ =	shalt  }
0x74: {  	_ =	shalt  }
0x75: {  	_ =	shalt  }
0x76: {  	_ =	shalt  }
0x77: {  	_ =	shalt  }
0x78: {  	_ =	shalt  }
0x79: {  	_ =	shalt  }
0x7a: {  	_ =	shalt  }
0x7b: {  	_ =	shalt  }
0x7c: {  	_ =	shalt  }
0x7d: {  	_ =	shalt  }
0x7e: {  	_ =	shalt  }
0x7f: {  	_ =	shalt  }
0x80: {  	_ =	shalt  }
0x81: {  	_ =	shalt  }
0x82: {  	_ =	shalt  }
0x83: {  	_ =	shalt  }
0x84: {  	_ =	shalt  }
0x85: {  	_ =	shalt  }
0x86: {  	_ =	shalt  }
0x87: {  	_ =	shalt  }
.Lfunc_end0:
.L_simem_size_0:
called_computation_lowered:
.L_overlay_start_0:
0x88: {  	s2 =	sld [smem:$0x3FD9]  }
0x89: {  	s3 =	sld [smem:$0x3FFE];
	_ =	sdelay $0x1  }
0x8a: {  	s1 =	srdreg.scid  }
0x8b: {  	s0 =	sand.u32 $0x1, s1  }
0x8c: {  	s14 =	sshll.u32 s0, $0xA;
	s2 =	sadd.s32 s3, s2  }
0x8d: {  	s2 =	sadd.s32 s2, s14  }
0x8e: {  	[smem:$0x3FC6] =	sst s2  }
0x8f: {  	_ = 	snop  }
0x90: {  	s2 =	sld [smem:$0x3FD0];
	_ =	sdelay $0x2  }
0x91: {  	s15 =	simm.s32 $0xA;
	s4 =	simm.s32 $0x10  }
0x92: {  	[smem:s4], [sflag:s15] =	dma.local [hbm:s2], $0x1  }
0x93: {  	_ =	swait.eq [sflag:s15], $0x1  }
0x94: {  	[sflag:s15] =	ssyncset.done $0x0  }
0x95: {  	[sflag:s15] =	ssyncadd.s32 $0xFFFFFFFF  }
0x96: {  	s16 =	sld [smem:$0x10];
	(tm) =	ssettm $0x1  }
0x97: {  	s17 =	sld [smem:$0x3FFB];
	_ =	sdelay $0x3  }
0x98: {  	_ =	strace s17  }
0x99: {  	s3 =	sld [smem:$0x3FFC];
	_ =	sdelay $0x3  }
0x9a: {  	_ =	strace s3  }
0x9b: {  	s3 =	sld [smem:$0x3FFD];
	_ =	sdelay $0x3  }
0x9c: {  	_ =	strace s3  }
0x9d: {  	_ =	strace $0x8FFFFFFF  }
0x9e: {  	s18 =	sld [smem:$0x3FDB];
	_ =	sdelay $0x1  }
0x9f: {  	s19 =	simm.s32 $_scs_section_size  }
0xa0: {  	s5 =	simm.s32 $_size__tile_overlayer_lowered;
	s6 =	simm.s32 $_tile_overlayer_lowered  }
0xa1: {  	s22 =	simm.s32 $0x1BFF;
	s21 =	sshll.u32 s6, $0x1;
	s3 =	sadd.s32 s19, s18  }
0xa2: {  	s7 =	simm.s32 $0x0;
	s20 =	sshll.u32 s5, $0x1;
	s5 =	sadd.s32 s21, s3  }
0xa3: {  	[timem:s7], [sflag:s22] =	dma.local [hbm:s5], s20  }
0xa4: {  	_ =	swait.ge [sflag:s22], s20  }
0xa5: {  	s4 =	ssub.s32 $0x0, s20;
	[sflag:s22] =	ssyncset.done $0x0  }
0xa6: {  	[sflag:s22] =	ssyncadd.s32 s4;
	_ =	sdelay $0x1  }
0xa7: {  	s23 =	simm.s32 $0x1B8B  }
0xa8: {  	_ =	swait.ge [sflag:s23], $0x1  }
0xa9: {  	[sflag:s23] =	ssyncset.done $0x0  }
0xaa: {  	s25 =	simm.s32 $0x1B8E;
	s24 =	sld [smem:$0x3FFE];
	[sflag:s23] =	ssyncadd.s32 $0xFFFFFFFF  }
0xab: {  	s26 =	simm.s32 $execute0_lowered;
	[smem:$0x3FD2] =	sst s25  }
0xac: {  	s5 =	sshll.u32 s26, $0x1;
	_ =	strace $0x80000046;
	[dreg:$0x1] =	wrdreg $0xFFFFFFFF  }
0xad: {  	s28 =	simm.s32 $_size_execute0_lowered;
	s3 =	sadd.s32 s3, s5;
	[dreg:$0x0] =	wrdreg $0x0  }
0xae: {  	s5 =	sshll.u32 s28, $0x1;
	[dreg:$0x2] =	wrdreg s3  }
0xaf: {  	[dreg:$0x3] =	wrdreg s5  }
0xb0: {  	[dreg:$0x4] =	wrdreg $0xC0  }
0xb1: {  	_ =	task [dreg:s7], $0x5FFFF  }
0xb2: {  	[dreg:$0x1] =	wrdreg $0xFFFFFFFF  }
0xb3: {  	[dreg:$0x0] =	wrdreg $0x60  }
0xb4: {  	[dreg:$0x2] =	wrdreg s16  }
0xb5: {  	[dreg:$0x3] =	wrdreg s24  }
0xb6: {  	[dreg:$0x4] =	wrdreg $0x88000  }
0xb7: {  	[dreg:$0x5] =	wrdreg $0x9  }
0xb8: {  	_ =	task.clear_ibuf [dreg:s7], $0x6FFFF;
	_ =	strace $0x90000046  }
0xb9: {  	s29 =	simm.s32 $0x9;
	_ =	strace $0x80000048  }
0xba: {  	_ =	swait.ge [sflag:s29], $0x1  }
0xbb: {  	[sflag:s29] =	ssyncadd.s32 $0xFFFFFFFF  }
0xbc: {  	_ =	strace $0x90000048  }
0xbd: {  	_ =	sfence  }
0xbe: {  	s30 =	sld [smem:$0x0];
	_ =	sdelay $0x2  }
0xbf: {  	s31 =	sshll.u32 s1, $0xD;
	s1 =	sshrl.u32 s1, $0x2  }
0xc0: {  	s3 =	sand.u32 $0x4000, s31;
	s1 =	sadd.s32 s1, s30  }
0xc1: {  	s0 =	sor.u32 s3, s0;
	s1 =	sshll.u32 s1, $0x11  }
0xc2: {  	s0 =	sor.u32 s1, s0  }
0xc3: {  	s0 =	sadd.s32 $0x8F2B, s0  }
0xc4: {  	[sflag:s0] =	ssyncadd.remote.s32 $0x1  }
0xc5: {  	_ =	sfence.sel $0xFFFF  }
0xc6: {  	[dreg:$0x0] =	wrdreg $0xFFFFFFFF;
	(pc) =	sbr.abs _section_cstart, $3  }
0xc7: {  	[dreg:$0x1] =	wrdreg $0xFFFFFFFF  }
0xc8: {  	_ =	task.clear_ibuf [dreg:s7], $0x2FFFF;
	_ =	strace $0x9FFFFFFF  }
0xc9: {  	(tm) =	ssettm $0x7FFFFFFF  }
tec
execute0_lowered:
.L_overlay_start_1:
0x0: {  	(tag) =	ssettag $0x1  }
0x1: {  	s0 =	rddreg [dreg:$0x0]  }
0x2: {  	s2 =	srdreg.scid;
	s1 =	rddreg [dreg:$0x1]  }
0x3: {  	s25 =	stileid.u32;
	s3 =	simm.s32 $0x0;
	s20 =	simm.s32 $0x2  }
0x4: {  	s21 =	simm.s32 $0x80;
	s22 =	simm.s32 $0x100;
	s23 =	simm.s32 $0x180  }
0x5: {  	s24 =	simm.s32 $0x200;
	s30 =	simm.s32 $0x1;
	s31 =	simm.s32 $0x8200  }
0x6: {  	s28 =	simm.s32 $0x0;
	s4 =	sand.u32 $0x1, s2;
	s2 =	rddreg [dreg:$0x2]  }
0x7: {  	[smem:$0x7FF] =	sst s3;
	p0 =	sne.s32 s25, $0x0;
	s5 =	sshll.u32 s4, $0x4  }
0x8: {  	_ =	strace $0x80000047;
	s26 =	sshll.u32 s4, $0xA;
	s4 =	ssub.s32 $0x2, s4  }
0x9: {  	s11 =	sadd.s32 $0x400, s2;
	s12 =	sadd.s32 $0x800, s2;
	s13 =	sadd.s32 $0xC00, s2  }
0xa: {  	s14 =	sadd.s32 $0x1000, s2;
	s15 =	sadd.s32 $0x1400, s2;
	s16 =	sadd.s32 $0x1800, s2  }
0xb: {  	s17 =	sadd.s32 $0x1C00, s2;
	s5 =	sor.u32 s25, s5;
	s18 =	sadd.s32 s26, s1  }
0xc: {  	s29 =	sshrl.u32 s4, $0x1;
	s26 =	simm.s32 $0x8380;
	s6 =	sshll.u32 s5, $0x6  }
0xd: {  	s8 =	sshll.u32 s5, $0xB;
	s5 =	sshll.u32 s5, $0x1;
	s19 =	ssub.s32 s4, s29  }
0xe: {  	s18 =	sadd.s32 $0x8800, s18;
	s7 =	sadd.s32 s6, s1;
	s9 =	sadd.s32 s8, s1  }
0xf: {  	s10 =	sadd.s32 s5, s1;
	s8 =	sadd.s32 s0, s8;
	s19 =	smax.u32 s19, $0x1  }
0x10: {  	s4 =	sadd.s32 $0x8000, s7;
	s5 =	sadd.s32 $0x8010, s7;
	s6 =	sadd.s32 $0x8020, s7  }
0x11: {  	v0 =	vimm.f32 $1.000000000e+00;
	v1 =	vimm.f32 $0.0e+00;
	s7 =	sadd.s32 $0x8030, s7;
	s9 =	sadd.s32 $0x9200, s9;
	s10 =	sadd.s32 $0x9000, s10  }
.LBB2_1:
0x12: {  	[tilespmem:s3], [sflag:$0x2] =	stream.linear.gather [hbm4b:s4+s3], $0x80, $0x38;
	[tilespmem:$0x8A00] =	vst v63  }
0x13: {  	_ =	swait.ge [sflag:s20], $0x80  }
0x14: {  	[sflag:s20] =	ssyncset.done $0x0  }
0x15: {  	[sflag:s20] =	ssyncadd.s32 $0xFFFFFF80  }
0x16: {  	[tilespmem:s21], [sflag:$0x2] =	stream.linear.gather [hbm4b:s5+s3], $0x80, $0x38;
	[tilespmem:$0x8A00] =	vst v63  }
0x17: {  	_ =	swait.ge [sflag:s20], $0x80  }
0x18: {  	[sflag:s20] =	ssyncset.done $0x0  }
0x19: {  	[sflag:s20] =	ssyncadd.s32 $0xFFFFFF80  }
0x1a: {  	[tilespmem:s22], [sflag:$0x2] =	stream.linear.gather [hbm4b:s6+s3], $0x80, $0x38;
	[tilespmem:$0x8A00] =	vst v63  }
0x1b: {  	_ =	swait.ge [sflag:s20], $0x80  }
0x1c: {  	[sflag:s20] =	ssyncset.done $0x0  }
0x1d: {  	[sflag:s20] =	ssyncadd.s32 $0xFFFFFF80  }
0x1e: {  	[tilespmem:s23], [sflag:$0x2] =	stream.linear.gather [hbm4b:s7+s3], $0x80, $0x38;
	[tilespmem:$0x8A00] =	vst v63  }
0x1f: {  	_ =	swait.ge [sflag:s20], $0x80  }
0x20: {  	[sflag:s20] =	ssyncset.done $0x0  }
0x21: {  	[sflag:s20] =	ssyncadd.s32 $0xFFFFFF80  }
0x22: {  	[tilespmem:s24], [sflag:$0x1] =	stream.indirect.gather [hbm4b:s1+s21], $0x20, s3, s21, $0xb8;
	[tilespmem:$0x8A00] =	vst v63  }
0x23: {  	s0 =	simm.s32 $0x1200  }
0x24: {  	[tilespmem:s0], [sflag:$0x1] =	stream.indirect.gather [hbm4b:s1+s21], $0x20, s21, s21, $0xb8;
	[tilespmem:$0x8A00] =	vst v63  }
0x25: {  	s25 =	simm.s32 $0x2200  }
0x26: {  	[tilespmem:s25], [sflag:$0x1] =	stream.indirect.gather [hbm4b:s1+s21], $0x20, s22, s21, $0xb8;
	[tilespmem:$0x8A00] =	vst v63  }
0x27: {  	s25 =	simm.s32 $0x3200  }
0x28: {  	[tilespmem:s25], [sflag:$0x1] =	stream.indirect.gather [hbm4b:s1+s21], $0x20, s23, s21, $0xb8;
	[tilespmem:$0x8A00] =	vst v63  }
0x29: {  	s25 =	simm.s32 $0x4200  }
0x2a: {  	[tilespmem:s25], [sflag:$0x2] =	stream.linear.gather [hbm4b:s8+s3], $0x4000, $0x38;
	[tilespmem:$0x8A00] =	vst v63  }
0x2b: {  	_ =	swait.ge [sflag:s20], $0x4000  }
0x2c: {  	[sflag:s20] =	ssyncset.done $0x0  }
0x2d: {  	[sflag:s20] =	ssyncadd.s32 $0xFFFFC000  }
0x2e: {  	[tilespmem:$0x8200] =	vst v0  }
0x2f: {  	[tilespmem:$0x8210] =	vst v0  }
0x30: {  	[tilespmem:$0x8220] =	vst v0  }
0x31: {  	[tilespmem:$0x8230] =	vst v0  }
0x32: {  	[tilespmem:$0x8240] =	vst v0  }
0x33: {  	[tilespmem:$0x8250] =	vst v0  }
0x34: {  	[tilespmem:$0x8260] =	vst v0  }
0x35: {  	[tilespmem:$0x8270] =	vst v0  }
0x36: {  	[tilespmem:$0x8280] =	vst v0  }
0x37: {  	[tilespmem:$0x8290] =	vst v0  }
0x38: {  	[tilespmem:$0x82A0] =	vst v0  }
0x39: {  	[tilespmem:$0x82B0] =	vst v0  }
0x3a: {  	[tilespmem:$0x82C0] =	vst v0  }
0x3b: {  	[tilespmem:$0x82D0] =	vst v0  }
0x3c: {  	[tilespmem:$0x82E0] =	vst v0  }
0x3d: {  	[tilespmem:$0x82F0] =	vst v0  }
0x3e: {  	[tilespmem:$0x8300] =	vst v0  }
0x3f: {  	[tilespmem:$0x8310] =	vst v0  }
0x40: {  	[tilespmem:$0x8320] =	vst v0  }
0x41: {  	[tilespmem:$0x8330] =	vst v0  }
0x42: {  	[tilespmem:$0x8340] =	vst v0  }
0x43: {  	[tilespmem:$0x8350] =	vst v0  }
0x44: {  	[tilespmem:$0x8360] =	vst v0  }
0x45: {  	[tilespmem:$0x8370] =	vst v0  }
0x46: {  	[tilespmem:$0x8380] =	vst v0  }
0x47: {  	[tilespmem:$0x8390] =	vst v0  }
0x48: {  	[tilespmem:$0x83A0] =	vst v0  }
0x49: {  	[tilespmem:$0x83B0] =	vst v0  }
0x4a: {  	[tilespmem:$0x83C0] =	vst v0  }
0x4b: {  	[tilespmem:$0x83D0] =	vst v0  }
0x4c: {  	[tilespmem:$0x83E0] =	vst v0  }
0x4d: {  	s29 =	simm.s32 $0x40;
	s0 =	simm.s32 $0x0;
	[tilespmem:$0x83F0] =	vst v0  }
.LBB2_2:
0x4e: {  	p1 =	sne.s32 s29, $0xFC0;
	[tilespmem:s0+$0x8400] =	vst v1;
	s0 =	smov.u32 s29;
	s29 =	sadd.s32 $0x40, s29  }
.Ltmp0:
0x4f: {  	(pc) =	sbr.rel @p1 .LBB2_2-.Ltmp0, $2  }
0x50: {  	_ =	sdelay $0x2  }
0x51: {  	s0 =	sshra.s32 s0, $0x2  }
0x52: {  	[tilespmem:s0+$0x8400] =	vst v1  }
0x53: {  	_ =	swait.ge [sflag:s30], $0x1000  }
0x54: {  	[sflag:s30] =	ssyncset.done $0x0  }
0x55: {  	[sflag:s30] =	ssyncadd.s32 $0xFFFFF000  }
0x56: {  	_ =	swait.ge [sflag:s30], $0x1000  }
0x57: {  	[sflag:s30] =	ssyncset.done $0x0  }
0x58: {  	[sflag:s30] =	ssyncadd.s32 $0xFFFFF000  }
0x59: {  	_ =	swait.ge [sflag:s30], $0x1000  }
0x5a: {  	[sflag:s30] =	ssyncset.done $0x0  }
0x5b: {  	[sflag:s30] =	ssyncadd.s32 $0xFFFFF000  }
0x5c: {  	_ =	swait.ge [sflag:s30], $0x1000  }
0x5d: {  	[sflag:s30] =	ssyncset.done $0x0  }
0x5e: {  	s25 =	simm.s32 $0x0;
	[sflag:s30] =	ssyncadd.s32 $0xFFFFF000  }
0x5f: {  	[hbm4b:s9+s25] =	stream.linear.scatter [tilespmem:s24], [sflag:$0x2], $0x4000, $0x38;
	[tilespmem:$0x8A00] =	vst v63  }
0x60: {  	_ =	swait.ge [sflag:s20], $0x4000  }
0x61: {  	[sflag:s20] =	ssyncset.done $0x0  }
0x62: {  	s25 =	simm.s32 $0x0;
	[sflag:s20] =	ssyncadd.s32 $0xFFFFC000  }
0x63: {  	v2 =	vld [tilespmem:s25+$0x200]  }
0x64: {  	v3 =	vld [tilespmem:s25+$0x4200]  }
0x65: {  	v5 =	vld [tilespmem:s25+$0x210]  }
0x66: {  	v6 =	vld [tilespmem:s25+$0x4210];
	_ =	sdelay $0x1  }
0x67: {  	s25 =	simm.s32 $0x20  }
0x68: {  	v4 =	vld [tilespmem:s25+$0x4200];
	v3 =	vsub.f32 v2, v3  }
0x69: {  	v2 =	vld [tilespmem:s25+$0x200]  }
0x6a: {  	v7 =	vsub.f32 v5, v6;
	v5 =	vld [tilespmem:s25+$0x4210];
	v6 =	vmul.f32 v3, v3  }
0x6b: {  	v8 =	vimm.f32 $0.0e+00;
	v3 =	vld [tilespmem:s25+$0x210]  }
0x6c: {  	s29 =	simm.s32 $0x100;
	v7 =	vmul.f32 v7, v7;
	v6 =	vadd.f32 v6, v8  }
.LBB2_4:
0x6d: {  	s0 =	sshra.s32 s29, $0x2;
	p1 =	sne.s32 s29, $0xFF80  }
.Ltmp1:
0x6e: {  	s29 =	sadd.s32 $0x80, s29;
	v8 =	vsub.f32 v2, v4;
	v2 =	vld [tilespmem:s0+$0x200];
	v6 =	vadd.f32 v7, v6;
	(pc) =	sbr.rel @p1 .LBB2_4-.Ltmp1, $4  }
0x6f: {  	v4 =	vld [tilespmem:s0+$0x4200]  }
0x70: {  	v7 =	vsub.f32 v3, v5;
	v3 =	vld [tilespmem:s0+$0x210];
	v8 =	vmul.f32 v8, v8  }
0x71: {  	v5 =	vld [tilespmem:s0+$0x4210]  }
0x72: {  	v6 =	vadd.f32 v8, v6;
	v7 =	vmul.f32 v7, v7  }
0x73: {  	_ = 	snop  }
0x74: {  	v2 =	vsub.f32 v2, v4;
	_ =	sdelay $0x1  }
0x75: {  	v63 =	vadd.f32 v7, v6;
	v3 =	vsub.f32 v3, v5;
	v2 =	vmul.f32 v2, v2;
	_ =	sdelay $0x1  }
0x76: {  	v2 =	vadd.f32 v2, v63;
	v3 =	vmul.f32 v3, v3;
	_ =	sdelay $0x1  }
0x77: {  	v2 =	vadd.f32 v3, v2;
	_ =	sdelay $0x1  }
0x78: {  	[tilespmem:$0x8200] =	vst v2  }
0x79: {  	[hbm4b:s10+s3] =	stream.linear.scatter [tilespmem:s31], [sflag:$0x2], $0x10, $0x38;
	[tilespmem:$0x8A00] =	vst v63  }
0x7a: {  	_ =	swait.ge [sflag:s20], $0x10  }
0x7b: {  	[sflag:s20] =	ssyncset.done $0x0  }
0x7c: {  	[sflag:s20] =	ssyncadd.s32 $0xFFFFFFF0  }
0x7d: {  	s0 =	simm.s32 @!p0 $0x8400;
	s29 =	simm.s32 @!p0 $0x2;
	[tilespmem:$0x8200] =	vst v0  }
0x7e: {  	[spmem:s2] =	stream.linear.scatter @!p0 [tilespmem:s0], [sflag:$0x2], $0x400, $0x38;
	[tilespmem:$0x8A00] =	vst v63  }
0x7f: {  	_ =	swait.ge @!p0 [sflag:s29], $0x400  }
0x80: {  	[sflag:s29] =	ssyncset.done @!p0 $0x0  }
0x81: {  	[sflag:s29] =	ssyncadd.s32 @!p0 $0xFFFFFC00  }
0x82: {  	[spmem:s11] =	stream.linear.scatter @!p0 [tilespmem:s0], [sflag:$0x2], $0x400, $0x38;
	[tilespmem:$0x8A00] =	vst v63  }
0x83: {  	_ =	swait.ge @!p0 [sflag:s29], $0x400  }
0x84: {  	[sflag:s29] =	ssyncset.done @!p0 $0x0  }
0x85: {  	[sflag:s29] =	ssyncadd.s32 @!p0 $0xFFFFFC00  }
0x86: {  	[spmem:s12] =	stream.linear.scatter @!p0 [tilespmem:s0], [sflag:$0x2], $0x400, $0x38;
	[tilespmem:$0x8A00] =	vst v63  }
0x87: {  	_ =	swait.ge @!p0 [sflag:s29], $0x400  }
0x88: {  	[sflag:s29] =	ssyncset.done @!p0 $0x0  }
0x89: {  	[sflag:s29] =	ssyncadd.s32 @!p0 $0xFFFFFC00  }
0x8a: {  	[spmem:s13] =	stream.linear.scatter @!p0 [tilespmem:s0], [sflag:$0x2], $0x400, $0x38;
	[tilespmem:$0x8A00] =	vst v63  }
0x8b: {  	_ =	swait.ge @!p0 [sflag:s29], $0x400  }
0x8c: {  	[sflag:s29] =	ssyncset.done @!p0 $0x0  }
0x8d: {  	[sflag:s29] =	ssyncadd.s32 @!p0 $0xFFFFFC00  }
0x8e: {  	[spmem:s14] =	stream.linear.scatter @!p0 [tilespmem:s0], [sflag:$0x2], $0x400, $0x38;
	[tilespmem:$0x8A00] =	vst v63  }
0x8f: {  	_ =	swait.ge @!p0 [sflag:s29], $0x400  }
0x90: {  	[sflag:s29] =	ssyncset.done @!p0 $0x0  }
0x91: {  	[sflag:s29] =	ssyncadd.s32 @!p0 $0xFFFFFC00  }
0x92: {  	[spmem:s15] =	stream.linear.scatter @!p0 [tilespmem:s0], [sflag:$0x2], $0x400, $0x38;
	[tilespmem:$0x8A00] =	vst v63  }
0x93: {  	_ =	swait.ge @!p0 [sflag:s29], $0x400  }
0x94: {  	[sflag:s29] =	ssyncset.done @!p0 $0x0  }
0x95: {  	[sflag:s29] =	ssyncadd.s32 @!p0 $0xFFFFFC00  }
0x96: {  	[spmem:s16] =	stream.linear.scatter @!p0 [tilespmem:s0], [sflag:$0x2], $0x400, $0x38;
	[tilespmem:$0x8A00] =	vst v63  }
0x97: {  	_ =	swait.ge @!p0 [sflag:s29], $0x400  }
0x98: {  	[sflag:s29] =	ssyncset.done @!p0 $0x0  }
0x99: {  	[sflag:s29] =	ssyncadd.s32 @!p0 $0xFFFFFC00  }
0x9a: {  	[spmem:s17] =	stream.linear.scatter @!p0 [tilespmem:s0], [sflag:$0x2], $0x400, $0x38;
	[tilespmem:$0x8A00] =	vst v63  }
0x9b: {  	_ =	swait.ge @!p0 [sflag:s29], $0x400  }
0x9c: {  	[sflag:s29] =	ssyncset.done @!p0 $0x0  }
0x9d: {  	[sflag:s29] =	ssyncadd.s32 @!p0 $0xFFFFFC00  }
0x9e: {  	[bflag:$0x0] =	sbarrier.arrive $0xFFFF  }
0x9f: {  	[spmem:s2] =	stream.indirect.scatter.add.f32 [tilespmem:s31], [sflag:$0x2], $0x1, s3, s21, $0xb8;
	[tilespmem:$0x8A00] =	vst v63  }
0xa0: {  	_ =	swait.ge [sflag:s20], $0x80  }
0xa1: {  	[sflag:s20] =	ssyncset.done $0x0  }
0xa2: {  	s25 =	simm.s32 $0x8280;
	[sflag:s20] =	ssyncadd.s32 $0xFFFFFF80  }
0xa3: {  	[spmem:s2] =	stream.indirect.scatter.add.f32 [tilespmem:s25], [sflag:$0x2], $0x1, s21, s21, $0xb8;
	[tilespmem:$0x8A00] =	vst v63  }
0xa4: {  	_ =	swait.ge [sflag:s20], $0x80  }
0xa5: {  	[sflag:s20] =	ssyncset.done $0x0  }
0xa6: {  	s25 =	simm.s32 $0x8300;
	[sflag:s20] =	ssyncadd.s32 $0xFFFFFF80  }
0xa7: {  	[spmem:s2] =	stream.indirect.scatter.add.f32 [tilespmem:s25], [sflag:$0x2], $0x1, s22, s21, $0xb8;
	[tilespmem:$0x8A00] =	vst v63  }
0xa8: {  	_ =	swait.ge [sflag:s20], $0x80  }
0xa9: {  	[sflag:s20] =	ssyncset.done $0x0  }
0xaa: {  	[sflag:s20] =	ssyncadd.s32 $0xFFFFFF80  }
0xab: {  	[spmem:s2] =	stream.indirect.scatter.add.f32 [tilespmem:s26], [sflag:$0x2], $0x1, s23, s21, $0xb8;
	[tilespmem:$0x8A00] =	vst v63  }
0xac: {  	_ =	swait.ge [sflag:s20], $0x80  }
0xad: {  	s28 =	sadd.s32 $0x1, s28;
	[sflag:s20] =	ssyncset.done $0x0  }
0xae: {  	p1 =	sne.s32 s28, s19;
	s0 =	sshrl.u32 @!p0 s2, $0x3;
	[sflag:s20] =	ssyncadd.s32 $0xFFFFFF80  }
.Ltmp2:
0xaf: {  	s25 =	simm.s32 @!p0 $0x1C02;
	[bflag:$0x0] =	sbarrier.arrive $0xFFFF;
	(pc) =	sbr.rel @p1 .LBB2_1-.Ltmp2, $4  }
0xb0: {  	[hbm:s18], [sflag:s25] =	dma.local @!p0 [spmem:s0], $0x400  }
0xb1: {  	_ =	swait.ge @!p0 [sflag:s29], $0x400  }
0xb2: {  	[sflag:s29] =	ssyncset.done @!p0 $0x0  }
0xb3: {  	[sflag:s29] =	ssyncadd.s32 @!p0 $0xFFFFFC00  }
0xb4: {  	_ =	sfence.sel $0x180000  }
0xb5: {  	[bflag:$0x0] =	sbarrier.arrive $0xFFFF  }
0xb6: {  	_ =	strace $0x90000047  }
0xb7: {  	[bflag:$0x2] =	sbarrier.arrive $0xFFFF  }
0xb8: {  	s0 =	rddreg [dreg:$0x3]  }
0xb9: {  	s0 =	sadd.s32 @!p0 $0x100000, s0  }
0xba: {  	[sflag:s0] =	ssyncadd.tile.s32 @!p0 $0x1;
	_ =	shalt  }
.Lfunc_end2:
_tile_overlayer_lowered:
.L_overlay_start_2:
0xbb: {  	(tag) =	ssettag $0x2  }
0xbc: {  	s0 =	rddreg [dreg:$0x0];
	s2 =	stileid.u32  }
0xbd: {  	s1 =	rddreg [dreg:$0x1];
	p0 =	sne.s32 s2, $0x0  }
0xbe: {  	s3 =	rddreg [dreg:$0x2];
	[bflag:$0x3] =	sbarrier.arrive $0xFFFF;
	s2 =	simm.s32 @!p0 $0x1C02  }
0xbf: {  	[timem:s3], [sflag:s2] =	dma.local @!p0 [hbm:s0], s1  }
0xc0: {  	s0 =	simm.s32 @!p0 $0x2  }
0xc1: {  	_ =	swait.ge @!p0 [sflag:s0], s1  }
0xc2: {  	s1 =	ssub.s32 @!p0 $0x0, s1;
	[sflag:s0] =	ssyncset.done @!p0 $0x0  }
0xc3: {  	[sflag:s0] =	ssyncadd.s32 @!p0 s1  }
0xc4: {  	[bflag:$0x3] =	sbarrier.arrive $0xFFFF  }
0xc5: {  	_ =	shalt  }

</sc_bundles>
